<compile_context>
chip_gen: v7x
topology: tpu7x:2x2x1
jax: 0.10.2.dev20260603
libtpu: 0.0.44.dev20260713+nightly
codegen_flags: <defaults>
</compile_context>

<pallas_src>
import jax
import jax.numpy as jnp
from jax import lax
from jax.experimental import pallas as pl
from jax.experimental.pallas import tpu as pltpu
from jax.experimental.pallas import tpu_sc as plsc

N = 10000
NP = 10240
E = 320000
D = 128
K = 3
C = 80
NT = 16
NW = 32
BR = 80
_MESH = plsc.VectorSubcoreMesh(core_axis_name="c", subcore_axis_name="s")


def _zero16():
    return jnp.zeros((16,), jnp.float32)


def _deg_kernel_body(dst_hbm, out_hbm, didx_v, dacc_v):
    c = lax.axis_index("c")
    s = lax.axis_index("s")
    wid = c * NT + s
    ones16 = jnp.full((16,), 1.0, jnp.float32)

    def zi(i, carry):
        dacc_v[pl.ds(i * 16, 16)] = _zero16()
        return carry

    lax.fori_loop(0, NP // 16, zi, 0)

    base0 = wid * (E // NW)

    def body(i, carry):
        pltpu.sync_copy(dst_hbm.at[pl.ds(base0 + i * C, C)], didx_v)
        for j in range(C // 16):
            idx = didx_v[pl.ds(j * 16, 16)]
            plsc.addupdate_scatter(dacc_v, [idx], ones16)
        return carry

    lax.fori_loop(0, E // NW // C, body, 0)
    pltpu.sync_copy(dacc_v, out_hbm.at[pl.ds(wid * NP, NP)])


def _sc_degree(dst):
    f = pl.kernel(
        _deg_kernel_body,
        out_type=jax.ShapeDtypeStruct((NW * NP,), jnp.float32),
        mesh=_MESH,
        scratch_types=[
            pltpu.VMEM((C,), jnp.int32),
            pltpu.VMEM((NP,), jnp.float32),
        ],
        compiler_params=pltpu.CompilerParams(needs_layout_passes=False),
    )
    return f(dst)


def _hop_kernel_body(src1_hbm, dst1_hbm, tbl, out0, out1,
                     idx_v, didx_v, rows_v, sem, acc_sh):
    c = lax.axis_index("c")
    s = lax.axis_index("s")

    def zi(i, carry):
        for j in range(D // 16):
            rows_v[i, pl.ds(j * 16, 16)] = _zero16()
        return carry

    lax.fori_loop(0, C, zi, 0)
    for j in range(NP // NT // C):
        pltpu.sync_copy(rows_v,
                        acc_sh.at[pl.ds(s * (NP // NT) + j * C, C), :])
    plsc.subcore_barrier()

    base0 = (c * NT + s) * (E // NW)

    def body(i, carry):
        b = base0 + i * C
        pltpu.sync_copy(src1_hbm.at[pl.ds(b, C)], idx_v)
        pltpu.sync_copy(dst1_hbm.at[pl.ds(b, C)], didx_v)
        pltpu.async_copy(tbl.at[idx_v], rows_v, sem).wait()
        pltpu.sync_copy(rows_v, acc_sh.at[didx_v], add=True)
        return carry

    lax.fori_loop(0, E // NW // C, body, 0)
    plsc.subcore_barrier()

    row0 = s * (NP // NT)

    @pl.when(c == 0)
    def _():
        pltpu.sync_copy(acc_sh.at[pl.ds(row0, NP // NT), :],
                        out0.at[pl.ds(row0, NP // NT), :])

    @pl.when(c == 1)
    def _():
        pltpu.sync_copy(acc_sh.at[pl.ds(row0, NP // NT), :],
                        out1.at[pl.ds(row0, NP // NT), :])


def _sc_hop(src1, dst1, g):
    f = pl.kernel(
        _hop_kernel_body,
        out_type=(jax.ShapeDtypeStruct((NP, D), jnp.float32),
                  jax.ShapeDtypeStruct((NP, D), jnp.float32)),
        mesh=_MESH,
        scratch_types=[
            pltpu.VMEM((C,), jnp.int32),
            pltpu.VMEM((C,), jnp.int32),
            pltpu.VMEM((C, D), jnp.float32),
            pltpu.SemaphoreType.DMA,
            pltpu.VMEM_SHARED((NP, D), jnp.float32),
        ],
    )
    return f(src1, dst1, g)


def _scale0_body(x_ref, dT_ref, g_ref):
    deg = jnp.sum(dT_ref[...], axis=1, keepdims=True) + 1.0
    g_ref[...] = x_ref[...] * lax.rsqrt(deg)


def _combine_body(p0_ref, p1_ref, g_ref, dT_ref, o_ref):
    deg = jnp.sum(dT_ref[...], axis=1, keepdims=True) + 1.0
    o_ref[...] = (p0_ref[...] + p1_ref[...] + g_ref[...]) / deg


def _final_body(p0_ref, p1_ref, g_ref, dT_ref, w_ref, b_ref, out_ref):
    deg = jnp.sum(dT_ref[...], axis=1, keepdims=True) + 1.0
    h = (p0_ref[...] + p1_ref[...] + g_ref[...]) * lax.rsqrt(deg)
    o = jnp.dot(h, w_ref[...], preferred_element_type=jnp.float32) + b_ref[...]
    m = jnp.max(o, axis=1, keepdims=True)
    lse = jnp.log(jnp.sum(jnp.exp(o - m), axis=1, keepdims=True)) + m
    out_ref[...] = o - lse


def _row_spec(width):
    return pl.BlockSpec((BR, width), lambda i: (i, 0))


def _tc_scale0(x, dT):
    return pl.pallas_call(
        _scale0_body,
        grid=(N // BR,),
        in_specs=[_row_spec(D), _row_spec(NW)],
        out_specs=_row_spec(D),
        out_shape=jax.ShapeDtypeStruct((N, D), jnp.float32),
    )(x, dT)


def _tc_combine(p0, p1, g, dT):
    return pl.pallas_call(
        _combine_body,
        grid=(N // BR,),
        in_specs=[_row_spec(D)] * 3 + [_row_spec(NW)],
        out_specs=_row_spec(D),
        out_shape=jax.ShapeDtypeStruct((N, D), jnp.float32),
    )(p0, p1, g, dT)


def _tc_final(p0, p1, g, dT, W, b):
    return pl.pallas_call(
        _final_body,
        grid=(N // BR,),
        in_specs=[_row_spec(D)] * 3 + [_row_spec(NW)] + [
            pl.BlockSpec((D, D), lambda i: (0, 0)),
            pl.BlockSpec((1, D), lambda i: (0, 0)),
        ],
        out_specs=_row_spec(D),
        out_shape=jax.ShapeDtypeStruct((N, D), jnp.float32),
    )(p0, p1, g, dT, W, b)


def kernel(x, edge_index, W, b):
    src1 = edge_index[0]
    dst1 = edge_index[1]
    dall = _sc_degree(dst1)
    dT = dall.reshape(NW, NP)[:, :N].T
    g = _tc_scale0(x, dT)
    for k in range(K):
        p0, p1 = _sc_hop(src1, dst1, g)
        p0 = p0[:N]
        p1 = p1[:N]
        if k < K - 1:
            g = _tc_combine(p0, p1, g, dT)
    return _tc_final(p0, p1, g, dT, W, b.reshape(1, D))

# --- scband reference (transcript-rebuilt; emitter-appended) ---
"""Pipeline reference for scband-sgc-26225070309440 (READ-ONLY COPY).

The authoritative reference and input builder live on the scoring server;
editing this copy changes nothing except your own understanding.
"""

import jax, jax.numpy as jnp
import numpy as np

N = 10000
E = 320000
D_IN = 128
D_OUT = 128
K = 3


def setup_inputs(seed: int = 0) -> dict:
    key = jax.random.key(seed)
    k1, k2, k3 = jax.random.split(key, 3)
    x = jax.random.normal(k1, (N, D_IN), dtype=jnp.float32)
    edge_index = jax.random.randint(k2, (2, E), 0, N, dtype=jnp.int32)
    # glorot-ish init for the SGConv linear layer (weight: [D_IN, D_OUT])
    scale = (6.0 / (D_IN + D_OUT)) ** 0.5
    W = jax.random.uniform(k3, (D_IN, D_OUT), dtype=jnp.float32, minval=-scale, maxval=scale)
    b = jnp.zeros((D_OUT,), dtype=jnp.float32)
    return {"x": x, "edge_index": edge_index, "W": W, "b": b}


def reference(x, edge_index, W, b):
    # SGC forward (eval mode: dropout p=0.5 is identity).
    # gcn_norm with self-loops, then K=3 propagation, then linear, then log_softmax.
    src = edge_index[0]
    dst = edge_index[1]
    loop = jnp.arange(N, dtype=src.dtype)
    src = jnp.concatenate([src, loop])
    dst = jnp.concatenate([dst, loop])
    ones = jnp.ones(src.shape[0], dtype=jnp.float32)
    deg = jax.ops.segment_sum(ones, dst, num_segments=N)
    deg_inv_sqrt = jnp.where(deg > 0, jax.lax.rsqrt(deg), 0.0)
    norm = deg_inv_sqrt[src] * deg_inv_sqrt[dst]
    h = x
    for _ in range(K):
        h = jax.ops.segment_sum(norm[:, None] * h[src], dst, num_segments=N)
    out = h @ W + b
    return jax.nn.log_softmax(out, axis=1)

if __name__ == "__main__":
    import jax
    _d = setup_inputs()
    print(jax.jit(kernel)(*tuple(_d.values())))

</pallas_src>

<mosaic_0001>
#map = affine_map<(d0, d1) -> (0)>
#map1 = affine_map<(d0, d1) -> (0, 0)>
module attributes {stable_mosaic.version = 14 : i64} {
  func.func @_hop_kernel_body(%arg0: i32, %arg1: i32, %arg2: memref<320000xi32, #tpu.memory_space<hbm>>, %arg3: memref<320000xi32, #tpu.memory_space<hbm>>, %arg4: memref<10000x128xf32, #tpu.memory_space<hbm>>, %arg5: memref<10240x128xf32, #tpu.memory_space<hbm>>, %arg6: memref<10240x128xf32, #tpu.memory_space<hbm>>, %arg7: memref<80xi32, #tpu.memory_space<vmem>>, %arg8: memref<80xi32, #tpu.memory_space<vmem>>, %arg9: memref<80x128xf32, #tpu.memory_space<vmem>>, %arg10: memref<!tpu.dma_semaphore, #tpu.memory_space<semaphore_mem>>, %arg11: memref<10240x128xf32, #tpu.memory_space<vmem_shared>>) attributes {dimension_semantics = [#tpu.dimension_semantics<core_parallel>, #tpu.dimension_semantics<subcore_parallel>], iteration_bounds = array<i64: 2, 16>, scalar_prefetch = 0 : i64, scratch_operands = 5 : i64, tpu.core_type = #tpu.core_type<sc_vector_subcore>, window_params = [{transform_indices = #map}, {transform_indices = #map}, {transform_indices = #map1}, {transform_indices = #map1}, {transform_indices = #map1}]} {
    %scan3A = arith.constant 0 : i32
    %scan3A_0 = arith.constant 0 : i32
    %scan3A_1 = arith.constant 80 : i32
    %scan3A_2 = arith.addi %scan3A_0, %scan3A_1 : i32
    %scan3A_3 = arith.constant 1 : i32
    scf.for %scan3A_56 = %scan3A_0 to %scan3A_2 step %scan3A_3  : i32 {
      %broadcast_in_dim3A = arith.constant 0.000000e+00 : f32
      %broadcast_in_dim3A_57 = vector.broadcast %broadcast_in_dim3A : f32 to vector<16xf32>
      %swap3A = arith.index_cast %scan3A_56 : i32 to index
      %swap3A_58 = arith.constant 0 : index
      %swap3A_59 = tpu.vector_load %arg9[%swap3A, %swap3A_58] {strides = array<i32>} : memref<80x128xf32, #tpu.memory_space<vmem>>, vector<1x16xf32>,
      %swap3A_60 = vector.shape_cast %swap3A_59 : vector<1x16xf32> to vector<16xf32>
      %swap3A_61 = vector.shape_cast %broadcast_in_dim3A_57 : vector<16xf32> to vector<1x16xf32>
      tpu.vector_store %arg9[%swap3A, %swap3A_58], %swap3A_61 {strides = array<i32>} : memref<80x128xf32, #tpu.memory_space<vmem>>, vector<1x16xf32>,
      %broadcast_in_dim3A_62 = arith.constant 0.000000e+00 : f32
      %broadcast_in_dim3A_63 = vector.broadcast %broadcast_in_dim3A_62 : f32 to vector<16xf32>
      %swap3A_64 = arith.index_cast %scan3A_56 : i32 to index
      %swap3A_65 = arith.constant 16 : index
      %swap3A_66 = tpu.vector_load %arg9[%swap3A_64, %swap3A_65] {strides = array<i32>} : memref<80x128xf32, #tpu.memory_space<vmem>>, vector<1x16xf32>,
      %swap3A_67 = vector.shape_cast %swap3A_66 : vector<1x16xf32> to vector<16xf32>
      %swap3A_68 = vector.shape_cast %broadcast_in_dim3A_63 : vector<16xf32> to vector<1x16xf32>
      tpu.vector_store %arg9[%swap3A_64, %swap3A_65], %swap3A_68 {strides = array<i32>} : memref<80x128xf32, #tpu.memory_space<vmem>>, vector<1x16xf32>,
      %broadcast_in_dim3A_69 = arith.constant 0.000000e+00 : f32
      %broadcast_in_dim3A_70 = vector.broadcast %broadcast_in_dim3A_69 : f32 to vector<16xf32>
      %swap3A_71 = arith.index_cast %scan3A_56 : i32 to index
      %swap3A_72 = arith.constant 32 : index
      %swap3A_73 = tpu.vector_load %arg9[%swap3A_71, %swap3A_72] {strides = array<i32>} : memref<80x128xf32, #tpu.memory_space<vmem>>, vector<1x16xf32>,
      %swap3A_74 = vector.shape_cast %swap3A_73 : vector<1x16xf32> to vector<16xf32>
      %swap3A_75 = vector.shape_cast %broadcast_in_dim3A_70 : vector<16xf32> to vector<1x16xf32>
      tpu.vector_store %arg9[%swap3A_71, %swap3A_72], %swap3A_75 {strides = array<i32>} : memref<80x128xf32, #tpu.memory_space<vmem>>, vector<1x16xf32>,
      %broadcast_in_dim3A_76 = arith.constant 0.000000e+00 : f32
      %broadcast_in_dim3A_77 = vector.broadcast %broadcast_in_dim3A_76 : f32 to vector<16xf32>
      %swap3A_78 = arith.index_cast %scan3A_56 : i32 to index
      %swap3A_79 = arith.constant 48 : index
      %swap3A_80 = tpu.vector_load %arg9[%swap3A_78, %swap3A_79] {strides = array<i32>} : memref<80x128xf32, #tpu.memory_space<vmem>>, vector<1x16xf32>,
      %swap3A_81 = vector.shape_cast %swap3A_80 : vector<1x16xf32> to vector<16xf32>
      %swap3A_82 = vector.shape_cast %broadcast_in_dim3A_77 : vector<16xf32> to vector<1x16xf32>
      tpu.vector_store %arg9[%swap3A_78, %swap3A_79], %swap3A_82 {strides = array<i32>} : memref<80x128xf32, #tpu.memory_space<vmem>>, vector<1x16xf32>,
      %broadcast_in_dim3A_83 = arith.constant 0.000000e+00 : f32
      %broadcast_in_dim3A_84 = vector.broadcast %broadcast_in_dim3A_83 : f32 to vector<16xf32>
      %swap3A_85 = arith.index_cast %scan3A_56 : i32 to index
      %swap3A_86 = arith.constant 64 : index
      %swap3A_87 = tpu.vector_load %arg9[%swap3A_85, %swap3A_86] {strides = array<i32>} : memref<80x128xf32, #tpu.memory_space<vmem>>, vector<1x16xf32>,
      %swap3A_88 = vector.shape_cast %swap3A_87 : vector<1x16xf32> to vector<16xf32>
      %swap3A_89 = vector.shape_cast %broadcast_in_dim3A_84 : vector<16xf32> to vector<1x16xf32>
      tpu.vector_store %arg9[%swap3A_85, %swap3A_86], %swap3A_89 {strides = array<i32>} : memref<80x128xf32, #tpu.memory_space<vmem>>, vector<1x16xf32>,
      %broadcast_in_dim3A_90 = arith.constant 0.000000e+00 : f32
      %broadcast_in_dim3A_91 = vector.broadcast %broadcast_in_dim3A_90 : f32 to vector<16xf32>
      %swap3A_92 = arith.index_cast %scan3A_56 : i32 to index
      %swap3A_93 = arith.constant 80 : index
      %swap3A_94 = tpu.vector_load %arg9[%swap3A_92, %swap3A_93] {strides = array<i32>} : memref<80x128xf32, #tpu.memory_space<vmem>>, vector<1x16xf32>,
      %swap3A_95 = vector.shape_cast %swap3A_94 : vector<1x16xf32> to vector<16xf32>
      %swap3A_96 = vector.shape_cast %broadcast_in_dim3A_91 : vector<16xf32> to vector<1x16xf32>
      tpu.vector_store %arg9[%swap3A_92, %swap3A_93], %swap3A_96 {strides = array<i32>} : memref<80x128xf32, #tpu.memory_space<vmem>>, vector<1x16xf32>,
      %broadcast_in_dim3A_97 = arith.constant 0.000000e+00 : f32
      %broadcast_in_dim3A_98 = vector.broadcast %broadcast_in_dim3A_97 : f32 to vector<16xf32>
      %swap3A_99 = arith.index_cast %scan3A_56 : i32 to index
      %swap3A_100 = arith.constant 96 : index
      %swap3A_101 = tpu.vector_load %arg9[%swap3A_99, %swap3A_100] {strides = array<i32>} : memref<80x128xf32, #tpu.memory_space<vmem>>, vector<1x16xf32>,
      %swap3A_102 = vector.shape_cast %swap3A_101 : vector<1x16xf32> to vector<16xf32>
      %swap3A_103 = vector.shape_cast %broadcast_in_dim3A_98 : vector<16xf32> to vector<1x16xf32>
      tpu.vector_store %arg9[%swap3A_99, %swap3A_100], %swap3A_103 {strides = array<i32>} : memref<80x128xf32, #tpu.memory_space<vmem>>, vector<1x16xf32>,
      %broadcast_in_dim3A_104 = arith.constant 0.000000e+00 : f32
      %broadcast_in_dim3A_105 = vector.broadcast %broadcast_in_dim3A_104 : f32 to vector<16xf32>
      %swap3A_106 = arith.index_cast %scan3A_56 : i32 to index
      %swap3A_107 = arith.constant 112 : index
      %swap3A_108 = tpu.vector_load %arg9[%swap3A_106, %swap3A_107] {strides = array<i32>} : memref<80x128xf32, #tpu.memory_space<vmem>>, vector<1x16xf32>,
      %swap3A_109 = vector.shape_cast %swap3A_108 : vector<1x16xf32> to vector<16xf32>
      %swap3A_110 = vector.shape_cast %broadcast_in_dim3A_105 : vector<16xf32> to vector<1x16xf32>
      tpu.vector_store %arg9[%swap3A_106, %swap3A_107], %swap3A_110 {strides = array<i32>} : memref<80x128xf32, #tpu.memory_space<vmem>>, vector<1x16xf32>,
    }
    %scan3A_4 = arith.constant 80 : i32
    %mul3A = arith.constant 640 : i32
    %mul3A_5 = arith.muli %arg1, %mul3A : i32
    %add3A = arith.constant 0 : i32
    %add3A_6 = arith.addi %mul3A_5, %add3A : i32
    "tpu.region"() ({
      %run_scoped3A = tpu.sem_alloc : memref<!tpu.dma_semaphore, #tpu.memory_space<semaphore_mem>>
      %dma_start3A = arith.constant 0 : i32
      %dma_start3A_56 = tpu.memref_slice %arg11[%add3A_6, %dma_start3A] : memref<10240x128xf32, #tpu.memory_space<vmem_shared>> -> memref<80x128xf32, #tpu.memory_space<vmem_shared>>
      %dma_start3A_57 = arith.constant 0 : i32
      %dma_start3A_58 = tpu.memref_slice %arg11[%add3A_6, %dma_start3A_57] : memref<10240x128xf32, #tpu.memory_space<vmem_shared>> -> memref<80x128xf32, #tpu.memory_space<vmem_shared>>
      tpu.enqueue_dma source(%arg9 : memref<80x128xf32, #tpu.memory_space<vmem>>) target(%dma_start3A_58 : memref<80x128xf32, #tpu.memory_space<vmem_shared>>) target_semaphore(%run_scoped3A : memref<!tpu.dma_semaphore, #tpu.memory_space<semaphore_mem>>)
      %dma_wait3A = arith.constant 0 : i32
      %dma_wait3A_59 = tpu.memref_slice %arg11[%add3A_6, %dma_wait3A] : memref<10240x128xf32, #tpu.memory_space<vmem_shared>> -> memref<80x128xf32, #tpu.memory_space<vmem_shared>>
      %dma_wait3A_60 = arith.constant 0 : i32
      %dma_wait3A_61 = tpu.memref_slice %arg11[%add3A_6, %dma_wait3A_60] : memref<10240x128xf32, #tpu.memory_space<vmem_shared>> -> memref<80x128xf32, #tpu.memory_space<vmem_shared>>
      tpu.wait_dma2 semaphore(%run_scoped3A : memref<!tpu.dma_semaphore, #tpu.memory_space<semaphore_mem>>) src(%arg9 : memref<80x128xf32, #tpu.memory_space<vmem>>) dst(%dma_wait3A_61 : memref<80x128xf32, #tpu.memory_space<vmem_shared>>)
      tpu.yield
    }) : () -> ()
    %mul3A_7 = arith.constant 640 : i32
    %mul3A_8 = arith.muli %arg1, %mul3A_7 : i32
    %add3A_9 = arith.constant 80 : i32
    %add3A_10 = arith.addi %mul3A_8, %add3A_9 : i32
    "tpu.region"() ({
      %run_scoped3A = tpu.sem_alloc : memref<!tpu.dma_semaphore, #tpu.memory_space<semaphore_mem>>
      %dma_start3A = arith.constant 0 : i32
      %dma_start3A_56 = tpu.memref_slice %arg11[%add3A_10, %dma_start3A] : memref<10240x128xf32, #tpu.memory_space<vmem_shared>> -> memref<80x128xf32, #tpu.memory_space<vmem_shared>>
      %dma_start3A_57 = arith.constant 0 : i32
      %dma_start3A_58 = tpu.memref_slice %arg11[%add3A_10, %dma_start3A_57] : memref<10240x128xf32, #tpu.memory_space<vmem_shared>> -> memref<80x128xf32, #tpu.memory_space<vmem_shared>>
      tpu.enqueue_dma source(%arg9 : memref<80x128xf32, #tpu.memory_space<vmem>>) target(%dma_start3A_58 : memref<80x128xf32, #tpu.memory_space<vmem_shared>>) target_semaphore(%run_scoped3A : memref<!tpu.dma_semaphore, #tpu.memory_space<semaphore_mem>>)
      %dma_wait3A = arith.constant 0 : i32
      %dma_wait3A_59 = tpu.memref_slice %arg11[%add3A_10, %dma_wait3A] : memref<10240x128xf32, #tpu.memory_space<vmem_shared>> -> memref<80x128xf32, #tpu.memory_space<vmem_shared>>
      %dma_wait3A_60 = arith.constant 0 : i32
      %dma_wait3A_61 = tpu.memref_slice %arg11[%add3A_10, %dma_wait3A_60] : memref<10240x128xf32, #tpu.memory_space<vmem_shared>> -> memref<80x128xf32, #tpu.memory_space<vmem_shared>>
      tpu.wait_dma2 semaphore(%run_scoped3A : memref<!tpu.dma_semaphore, #tpu.memory_space<semaphore_mem>>) src(%arg9 : memref<80x128xf32, #tpu.memory_space<vmem>>) dst(%dma_wait3A_61 : memref<80x128xf32, #tpu.memory_space<vmem_shared>>)
      tpu.yield
    }) : () -> ()
    %mul3A_11 = arith.constant 640 : i32
    %mul3A_12 = arith.muli %arg1, %mul3A_11 : i32
    %add3A_13 = arith.constant 160 : i32
    %add3A_14 = arith.addi %mul3A_12, %add3A_13 : i32
    "tpu.region"() ({
      %run_scoped3A = tpu.sem_alloc : memref<!tpu.dma_semaphore, #tpu.memory_space<semaphore_mem>>
      %dma_start3A = arith.constant 0 : i32
      %dma_start3A_56 = tpu.memref_slice %arg11[%add3A_14, %dma_start3A] : memref<10240x128xf32, #tpu.memory_space<vmem_shared>> -> memref<80x128xf32, #tpu.memory_space<vmem_shared>>
      %dma_start3A_57 = arith.constant 0 : i32
      %dma_start3A_58 = tpu.memref_slice %arg11[%add3A_14, %dma_start3A_57] : memref<10240x128xf32, #tpu.memory_space<vmem_shared>> -> memref<80x128xf32, #tpu.memory_space<vmem_shared>>
      tpu.enqueue_dma source(%arg9 : memref<80x128xf32, #tpu.memory_space<vmem>>) target(%dma_start3A_58 : memref<80x128xf32, #tpu.memory_space<vmem_shared>>) target_semaphore(%run_scoped3A : memref<!tpu.dma_semaphore, #tpu.memory_space<semaphore_mem>>)
      %dma_wait3A = arith.constant 0 : i32
      %dma_wait3A_59 = tpu.memref_slice %arg11[%add3A_14, %dma_wait3A] : memref<10240x128xf32, #tpu.memory_space<vmem_shared>> -> memref<80x128xf32, #tpu.memory_space<vmem_shared>>
      %dma_wait3A_60 = arith.constant 0 : i32
      %dma_wait3A_61 = tpu.memref_slice %arg11[%add3A_14, %dma_wait3A_60] : memref<10240x128xf32, #tpu.memory_space<vmem_shared>> -> memref<80x128xf32, #tpu.memory_space<vmem_shared>>
      tpu.wait_dma2 semaphore(%run_scoped3A : memref<!tpu.dma_semaphore, #tpu.memory_space<semaphore_mem>>) src(%arg9 : memref<80x128xf32, #tpu.memory_space<vmem>>) dst(%dma_wait3A_61 : memref<80x128xf32, #tpu.memory_space<vmem_shared>>)
      tpu.yield
    }) : () -> ()
    %mul3A_15 = arith.constant 640 : i32
    %mul3A_16 = arith.muli %arg1, %mul3A_15 : i32
    %add3A_17 = arith.constant 240 : i32
    %add3A_18 = arith.addi %mul3A_16, %add3A_17 : i32
    "tpu.region"() ({
      %run_scoped3A = tpu.sem_alloc : memref<!tpu.dma_semaphore, #tpu.memory_space<semaphore_mem>>
      %dma_start3A = arith.constant 0 : i32
      %dma_start3A_56 = tpu.memref_slice %arg11[%add3A_18, %dma_start3A] : memref<10240x128xf32, #tpu.memory_space<vmem_shared>> -> memref<80x128xf32, #tpu.memory_space<vmem_shared>>
      %dma_start3A_57 = arith.constant 0 : i32
      %dma_start3A_58 = tpu.memref_slice %arg11[%add3A_18, %dma_start3A_57] : memref<10240x128xf32, #tpu.memory_space<vmem_shared>> -> memref<80x128xf32, #tpu.memory_space<vmem_shared>>
      tpu.enqueue_dma source(%arg9 : memref<80x128xf32, #tpu.memory_space<vmem>>) target(%dma_start3A_58 : memref<80x128xf32, #tpu.memory_space<vmem_shared>>) target_semaphore(%run_scoped3A : memref<!tpu.dma_semaphore, #tpu.memory_space<semaphore_mem>>)
      %dma_wait3A = arith.constant 0 : i32
      %dma_wait3A_59 = tpu.memref_slice %arg11[%add3A_18, %dma_wait3A] : memref<10240x128xf32, #tpu.memory_space<vmem_shared>> -> memref<80x128xf32, #tpu.memory_space<vmem_shared>>
      %dma_wait3A_60 = arith.constant 0 : i32
      %dma_wait3A_61 = tpu.memref_slice %arg11[%add3A_18, %dma_wait3A_60] : memref<10240x128xf32, #tpu.memory_space<vmem_shared>> -> memref<80x128xf32, #tpu.memory_space<vmem_shared>>
      tpu.wait_dma2 semaphore(%run_scoped3A : memref<!tpu.dma_semaphore, #tpu.memory_space<semaphore_mem>>) src(%arg9 : memref<80x128xf32, #tpu.memory_space<vmem>>) dst(%dma_wait3A_61 : memref<80x128xf32, #tpu.memory_space<vmem_shared>>)
      tpu.yield
    }) : () -> ()
    %mul3A_19 = arith.constant 640 : i32
    %mul3A_20 = arith.muli %arg1, %mul3A_19 : i32
    %add3A_21 = arith.constant 320 : i32
    %add3A_22 = arith.addi %mul3A_20, %add3A_21 : i32
    "tpu.region"() ({
      %run_scoped3A = tpu.sem_alloc : memref<!tpu.dma_semaphore, #tpu.memory_space<semaphore_mem>>
      %dma_start3A = arith.constant 0 : i32
      %dma_start3A_56 = tpu.memref_slice %arg11[%add3A_22, %dma_start3A] : memref<10240x128xf32, #tpu.memory_space<vmem_shared>> -> memref<80x128xf32, #tpu.memory_space<vmem_shared>>
      %dma_start3A_57 = arith.constant 0 : i32
      %dma_start3A_58 = tpu.memref_slice %arg11[%add3A_22, %dma_start3A_57] : memref<10240x128xf32, #tpu.memory_space<vmem_shared>> -> memref<80x128xf32, #tpu.memory_space<vmem_shared>>
      tpu.enqueue_dma source(%arg9 : memref<80x128xf32, #tpu.memory_space<vmem>>) target(%dma_start3A_58 : memref<80x128xf32, #tpu.memory_space<vmem_shared>>) target_semaphore(%run_scoped3A : memref<!tpu.dma_semaphore, #tpu.memory_space<semaphore_mem>>)
      %dma_wait3A = arith.constant 0 : i32
      %dma_wait3A_59 = tpu.memref_slice %arg11[%add3A_22, %dma_wait3A] : memref<10240x128xf32, #tpu.memory_space<vmem_shared>> -> memref<80x128xf32, #tpu.memory_space<vmem_shared>>
      %dma_wait3A_60 = arith.constant 0 : i32
      %dma_wait3A_61 = tpu.memref_slice %arg11[%add3A_22, %dma_wait3A_60] : memref<10240x128xf32, #tpu.memory_space<vmem_shared>> -> memref<80x128xf32, #tpu.memory_space<vmem_shared>>
      tpu.wait_dma2 semaphore(%run_scoped3A : memref<!tpu.dma_semaphore, #tpu.memory_space<semaphore_mem>>) src(%arg9 : memref<80x128xf32, #tpu.memory_space<vmem>>) dst(%dma_wait3A_61 : memref<80x128xf32, #tpu.memory_space<vmem_shared>>)
      tpu.yield
    }) : () -> ()
    %mul3A_23 = arith.constant 640 : i32
    %mul3A_24 = arith.muli %arg1, %mul3A_23 : i32
    %add3A_25 = arith.constant 400 : i32
    %add3A_26 = arith.addi %mul3A_24, %add3A_25 : i32
    "tpu.region"() ({
      %run_scoped3A = tpu.sem_alloc : memref<!tpu.dma_semaphore, #tpu.memory_space<semaphore_mem>>
      %dma_start3A = arith.constant 0 : i32
      %dma_start3A_56 = tpu.memref_slice %arg11[%add3A_26, %dma_start3A] : memref<10240x128xf32, #tpu.memory_space<vmem_shared>> -> memref<80x128xf32, #tpu.memory_space<vmem_shared>>
      %dma_start3A_57 = arith.constant 0 : i32
      %dma_start3A_58 = tpu.memref_slice %arg11[%add3A_26, %dma_start3A_57] : memref<10240x128xf32, #tpu.memory_space<vmem_shared>> -> memref<80x128xf32, #tpu.memory_space<vmem_shared>>
      tpu.enqueue_dma source(%arg9 : memref<80x128xf32, #tpu.memory_space<vmem>>) target(%dma_start3A_58 : memref<80x128xf32, #tpu.memory_space<vmem_shared>>) target_semaphore(%run_scoped3A : memref<!tpu.dma_semaphore, #tpu.memory_space<semaphore_mem>>)
      %dma_wait3A = arith.constant 0 : i32
      %dma_wait3A_59 = tpu.memref_slice %arg11[%add3A_26, %dma_wait3A] : memref<10240x128xf32, #tpu.memory_space<vmem_shared>> -> memref<80x128xf32, #tpu.memory_space<vmem_shared>>
      %dma_wait3A_60 = arith.constant 0 : i32
      %dma_wait3A_61 = tpu.memref_slice %arg11[%add3A_26, %dma_wait3A_60] : memref<10240x128xf32, #tpu.memory_space<vmem_shared>> -> memref<80x128xf32, #tpu.memory_space<vmem_shared>>
      tpu.wait_dma2 semaphore(%run_scoped3A : memref<!tpu.dma_semaphore, #tpu.memory_space<semaphore_mem>>) src(%arg9 : memref<80x128xf32, #tpu.memory_space<vmem>>) dst(%dma_wait3A_61 : memref<80x128xf32, #tpu.memory_space<vmem_shared>>)
      tpu.yield
    }) : () -> ()
    %mul3A_27 = arith.constant 640 : i32
    %mul3A_28 = arith.muli %arg1, %mul3A_27 : i32
    %add3A_29 = arith.constant 480 : i32
    %add3A_30 = arith.addi %mul3A_28, %add3A_29 : i32
    "tpu.region"() ({
      %run_scoped3A = tpu.sem_alloc : memref<!tpu.dma_semaphore, #tpu.memory_space<semaphore_mem>>
      %dma_start3A = arith.constant 0 : i32
      %dma_start3A_56 = tpu.memref_slice %arg11[%add3A_30, %dma_start3A] : memref<10240x128xf32, #tpu.memory_space<vmem_shared>> -> memref<80x128xf32, #tpu.memory_space<vmem_shared>>
      %dma_start3A_57 = arith.constant 0 : i32
      %dma_start3A_58 = tpu.memref_slice %arg11[%add3A_30, %dma_start3A_57] : memref<10240x128xf32, #tpu.memory_space<vmem_shared>> -> memref<80x128xf32, #tpu.memory_space<vmem_shared>>
      tpu.enqueue_dma source(%arg9 : memref<80x128xf32, #tpu.memory_space<vmem>>) target(%dma_start3A_58 : memref<80x128xf32, #tpu.memory_space<vmem_shared>>) target_semaphore(%run_scoped3A : memref<!tpu.dma_semaphore, #tpu.memory_space<semaphore_mem>>)
      %dma_wait3A = arith.constant 0 : i32
      %dma_wait3A_59 = tpu.memref_slice %arg11[%add3A_30, %dma_wait3A] : memref<10240x128xf32, #tpu.memory_space<vmem_shared>> -> memref<80x128xf32, #tpu.memory_space<vmem_shared>>
      %dma_wait3A_60 = arith.constant 0 : i32
      %dma_wait3A_61 = tpu.memref_slice %arg11[%add3A_30, %dma_wait3A_60] : memref<10240x128xf32, #tpu.memory_space<vmem_shared>> -> memref<80x128xf32, #tpu.memory_space<vmem_shared>>
      tpu.wait_dma2 semaphore(%run_scoped3A : memref<!tpu.dma_semaphore, #tpu.memory_space<semaphore_mem>>) src(%arg9 : memref<80x128xf32, #tpu.memory_space<vmem>>) dst(%dma_wait3A_61 : memref<80x128xf32, #tpu.memory_space<vmem_shared>>)
      tpu.yield
    }) : () -> ()
    %mul3A_31 = arith.constant 640 : i32
    %mul3A_32 = arith.muli %arg1, %mul3A_31 : i32
    %add3A_33 = arith.constant 560 : i32
    %add3A_34 = arith.addi %mul3A_32, %add3A_33 : i32
    "tpu.region"() ({
      %run_scoped3A = tpu.sem_alloc : memref<!tpu.dma_semaphore, #tpu.memory_space<semaphore_mem>>
      %dma_start3A = arith.constant 0 : i32
      %dma_start3A_56 = tpu.memref_slice %arg11[%add3A_34, %dma_start3A] : memref<10240x128xf32, #tpu.memory_space<vmem_shared>> -> memref<80x128xf32, #tpu.memory_space<vmem_shared>>
      %dma_start3A_57 = arith.constant 0 : i32
      %dma_start3A_58 = tpu.memref_slice %arg11[%add3A_34, %dma_start3A_57] : memref<10240x128xf32, #tpu.memory_space<vmem_shared>> -> memref<80x128xf32, #tpu.memory_space<vmem_shared>>
      tpu.enqueue_dma source(%arg9 : memref<80x128xf32, #tpu.memory_space<vmem>>) target(%dma_start3A_58 : memref<80x128xf32, #tpu.memory_space<vmem_shared>>) target_semaphore(%run_scoped3A : memref<!tpu.dma_semaphore, #tpu.memory_space<semaphore_mem>>)
      %dma_wait3A = arith.constant 0 : i32
      %dma_wait3A_59 = tpu.memref_slice %arg11[%add3A_34, %dma_wait3A] : memref<10240x128xf32, #tpu.memory_space<vmem_shared>> -> memref<80x128xf32, #tpu.memory_space<vmem_shared>>
      %dma_wait3A_60 = arith.constant 0 : i32
      %dma_wait3A_61 = tpu.memref_slice %arg11[%add3A_34, %dma_wait3A_60] : memref<10240x128xf32, #tpu.memory_space<vmem_shared>> -> memref<80x128xf32, #tpu.memory_space<vmem_shared>>
      tpu.wait_dma2 semaphore(%run_scoped3A : memref<!tpu.dma_semaphore, #tpu.memory_space<semaphore_mem>>) src(%arg9 : memref<80x128xf32, #tpu.memory_space<vmem>>) dst(%dma_wait3A_61 : memref<80x128xf32, #tpu.memory_space<vmem_shared>>)
      tpu.yield
    }) : () -> ()
    %barrier3A = arith.constant 0 : index
    tpu.barrier barrier_id(%barrier3A)
    %mul3A_35 = arith.constant 16 : i32
    %mul3A_36 = arith.muli %arg0, %mul3A_35 : i32
    %add3A_37 = arith.addi %mul3A_36, %arg1 : i32
    %mul3A_38 = arith.constant 10000 : i32
    %mul3A_39 = arith.muli %add3A_37, %mul3A_38 : i32
    %scan3A_40 = arith.constant 0 : i32
    %scan3A_41 = arith.constant 0 : i32
    %scan3A_42 = arith.constant 125 : i32
    %scan3A_43 = arith.addi %scan3A_41, %scan3A_42 : i32
    %scan3A_44 = arith.constant 1 : i32
    scf.for %scan3A_56 = %scan3A_41 to %scan3A_43 step %scan3A_44  : i32 {
      %mul3A_57 = arith.constant 80 : i32
      %mul3A_58 = arith.muli %scan3A_56, %mul3A_57 : i32
      %add3A_59 = arith.addi %mul3A_39, %mul3A_58 : i32
      "tpu.region"() ({
        %run_scoped3A = tpu.sem_alloc : memref<!tpu.dma_semaphore, #tpu.memory_space<semaphore_mem>>
        %dma_start3A_64 = tpu.memref_slice %arg2[%add3A_59] : memref<320000xi32, #tpu.memory_space<hbm>> -> memref<80xi32, #tpu.memory_space<hbm>>
        %dma_start3A_65 = tpu.memref_slice %arg2[%add3A_59] : memref<320000xi32, #tpu.memory_space<hbm>> -> memref<80xi32, #tpu.memory_space<hbm>>
        tpu.enqueue_dma source(%dma_start3A_65 : memref<80xi32, #tpu.memory_space<hbm>>) target(%arg7 : memref<80xi32, #tpu.memory_space<vmem>>) target_semaphore(%run_scoped3A : memref<!tpu.dma_semaphore, #tpu.memory_space<semaphore_mem>>)
        %dma_wait3A_66 = tpu.memref_slice %arg2[%add3A_59] : memref<320000xi32, #tpu.memory_space<hbm>> -> memref<80xi32, #tpu.memory_space<hbm>>
        %dma_wait3A_67 = tpu.memref_slice %arg2[%add3A_59] : memref<320000xi32, #tpu.memory_space<hbm>> -> memref<80xi32, #tpu.memory_space<hbm>>
        tpu.wait_dma2 semaphore(%run_scoped3A : memref<!tpu.dma_semaphore, #tpu.memory_space<semaphore_mem>>) src(%dma_wait3A_67 : memref<80xi32, #tpu.memory_space<hbm>>) dst(%arg7 : memref<80xi32, #tpu.memory_space<vmem>>)
        tpu.yield
      }) : () -> ()
      "tpu.region"() ({
        %run_scoped3A = tpu.sem_alloc : memref<!tpu.dma_semaphore, #tpu.memory_space<semaphore_mem>>
        %dma_start3A_64 = tpu.memref_slice %arg3[%add3A_59] : memref<320000xi32, #tpu.memory_space<hbm>> -> memref<80xi32, #tpu.memory_space<hbm>>
        %dma_start3A_65 = tpu.memref_slice %arg3[%add3A_59] : memref<320000xi32, #tpu.memory_space<hbm>> -> memref<80xi32, #tpu.memory_space<hbm>>
        tpu.enqueue_dma source(%dma_start3A_65 : memref<80xi32, #tpu.memory_space<hbm>>) target(%arg8 : memref<80xi32, #tpu.memory_space<vmem>>) target_semaphore(%run_scoped3A : memref<!tpu.dma_semaphore, #tpu.memory_space<semaphore_mem>>)
        %dma_wait3A_66 = tpu.memref_slice %arg3[%add3A_59] : memref<320000xi32, #tpu.memory_space<hbm>> -> memref<80xi32, #tpu.memory_space<hbm>>
        %dma_wait3A_67 = tpu.memref_slice %arg3[%add3A_59] : memref<320000xi32, #tpu.memory_space<hbm>> -> memref<80xi32, #tpu.memory_space<hbm>>
        tpu.wait_dma2 semaphore(%run_scoped3A : memref<!tpu.dma_semaphore, #tpu.memory_space<semaphore_mem>>) src(%dma_wait3A_67 : memref<80xi32, #tpu.memory_space<hbm>>) dst(%arg8 : memref<80xi32, #tpu.memory_space<vmem>>)
        tpu.yield
      }) : () -> ()
      %dma_start3A = arith.constant 0 : i32
      %dma_start3A_60 = arith.constant 0 : i32
      %dma_start3A_61 = tpu.memref_slice %arg4[%dma_start3A, %dma_start3A_60] : memref<10000x128xf32, #tpu.memory_space<hbm>> -> memref<10000x128xf32, #tpu.memory_space<hbm>>
      tpu.enqueue_indirect_dma source(%dma_start3A_61 : memref<10000x128xf32, #tpu.memory_space<hbm>>) target(%arg9 : memref<80x128xf32, #tpu.memory_space<vmem>>) offsets(%arg7 : memref<80xi32, #tpu.memory_space<vmem>>) semaphore(%arg10 : memref<!tpu.dma_semaphore, #tpu.memory_space<semaphore_mem>>)
      %dma_wait3A = arith.constant 0 : i32
      %dma_wait3A_62 = arith.constant 0 : i32
      %dma_wait3A_63 = tpu.memref_slice %arg4[%dma_wait3A, %dma_wait3A_62] : memref<10000x128xf32, #tpu.memory_space<hbm>> -> memref<10000x128xf32, #tpu.memory_space<hbm>>
      tpu.wait_indirect_dma semaphore(%arg10 : memref<!tpu.dma_semaphore, #tpu.memory_space<semaphore_mem>>) src(%dma_wait3A_63 : memref<10000x128xf32, #tpu.memory_space<hbm>>) dst(%arg9 : memref<80x128xf32, #tpu.memory_space<vmem>>)
      "tpu.region"() ({
        %run_scoped3A = tpu.sem_alloc : memref<!tpu.dma_semaphore, #tpu.memory_space<semaphore_mem>>
        %dma_start3A_64 = arith.constant 0 : i32
        %dma_start3A_65 = arith.constant 0 : i32
        %dma_start3A_66 = tpu.memref_slice %arg11[%dma_start3A_64, %dma_start3A_65] : memref<10240x128xf32, #tpu.memory_space<vmem_shared>> -> memref<10240x128xf32, #tpu.memory_space<vmem_shared>>
        tpu.enqueue_indirect_dma source(%arg9 : memref<80x128xf32, #tpu.memory_space<vmem>>) target(%dma_start3A_66 : memref<10240x128xf32, #tpu.memory_space<vmem_shared>>) offsets(%arg8 : memref<80xi32, #tpu.memory_space<vmem>>) semaphore(%run_scoped3A : memref<!tpu.dma_semaphore, #tpu.memory_space<semaphore_mem>>) {add = true}
        %dma_wait3A_67 = arith.constant 0 : i32
        %dma_wait3A_68 = arith.constant 0 : i32
        %dma_wait3A_69 = tpu.memref_slice %arg11[%dma_wait3A_67, %dma_wait3A_68] : memref<10240x128xf32, #tpu.memory_space<vmem_shared>> -> memref<10240x128xf32, #tpu.memory_space<vmem_shared>>
        tpu.wait_indirect_dma semaphore(%run_scoped3A : memref<!tpu.dma_semaphore, #tpu.memory_space<semaphore_mem>>) src(%arg9 : memref<80x128xf32, #tpu.memory_space<vmem>>) dst(%dma_wait3A_69 : memref<10240x128xf32, #tpu.memory_space<vmem_shared>>)
        tpu.yield
      }) : () -> ()
    }
    %scan3A_45 = arith.constant 125 : i32
    %barrier3A_46 = arith.constant 0 : index
    tpu.barrier barrier_id(%barrier3A_46)
    %mul3A_47 = arith.constant 640 : i32
    %mul3A_48 = arith.muli %arg1, %mul3A_47 : i32
    %eq3A = arith.constant 0 : i32
    %eq3A_49 = arith.cmpi eq, %arg0, %eq3A : i32
    %convert_element_type3A = arith.extui %eq3A_49 : i1 to i32
    %cond3A = arith.constant 0 : i32
    %cond3A_50 = arith.cmpi ne, %convert_element_type3A, %cond3A : i32
    scf.if %cond3A_50 {
      "tpu.region"() ({
        %run_scoped3A = tpu.sem_alloc : memref<!tpu.dma_semaphore, #tpu.memory_space<semaphore_mem>>
        %dma_start3A = arith.constant 0 : i32
        %dma_start3A_56 = tpu.memref_slice %arg5[%mul3A_48, %dma_start3A] : memref<10240x128xf32, #tpu.memory_space<hbm>> -> memref<640x128xf32, #tpu.memory_space<hbm>>
        %dma_start3A_57 = arith.constant 0 : i32
        %dma_start3A_58 = tpu.memref_slice %arg11[%mul3A_48, %dma_start3A_57] : memref<10240x128xf32, #tpu.memory_space<vmem_shared>> -> memref<640x128xf32, #tpu.memory_space<vmem_shared>>
        tpu.enqueue_dma source(%dma_start3A_58 : memref<640x128xf32, #tpu.memory_space<vmem_shared>>) target(%dma_start3A_56 : memref<640x128xf32, #tpu.memory_space<hbm>>) target_semaphore(%run_scoped3A : memref<!tpu.dma_semaphore, #tpu.memory_space<semaphore_mem>>)
        %dma_wait3A = arith.constant 0 : i32
        %dma_wait3A_59 = tpu.memref_slice %arg5[%mul3A_48, %dma_wait3A] : memref<10240x128xf32, #tpu.memory_space<hbm>> -> memref<640x128xf32, #tpu.memory_space<hbm>>
        %dma_wait3A_60 = arith.constant 0 : i32
        %dma_wait3A_61 = tpu.memref_slice %arg11[%mul3A_48, %dma_wait3A_60] : memref<10240x128xf32, #tpu.memory_space<vmem_shared>> -> memref<640x128xf32, #tpu.memory_space<vmem_shared>>
        tpu.wait_dma2 semaphore(%run_scoped3A : memref<!tpu.dma_semaphore, #tpu.memory_space<semaphore_mem>>) src(%dma_wait3A_61 : memref<640x128xf32, #tpu.memory_space<vmem_shared>>) dst(%dma_wait3A_59 : memref<640x128xf32, #tpu.memory_space<hbm>>)
        tpu.yield
      }) : () -> ()
    } else {
    }
    %eq3A_51 = arith.constant 1 : i32
    %eq3A_52 = arith.cmpi eq, %arg0, %eq3A_51 : i32
    %convert_element_type3A_53 = arith.extui %eq3A_52 : i1 to i32
    %cond3A_54 = arith.constant 0 : i32
    %cond3A_55 = arith.cmpi ne, %convert_element_type3A_53, %cond3A_54 : i32
    scf.if %cond3A_55 {
      "tpu.region"() ({
        %run_scoped3A = tpu.sem_alloc : memref<!tpu.dma_semaphore, #tpu.memory_space<semaphore_mem>>
        %dma_start3A = arith.constant 0 : i32
        %dma_start3A_56 = tpu.memref_slice %arg6[%mul3A_48, %dma_start3A] : memref<10240x128xf32, #tpu.memory_space<hbm>> -> memref<640x128xf32, #tpu.memory_space<hbm>>
        %dma_start3A_57 = arith.constant 0 : i32
        %dma_start3A_58 = tpu.memref_slice %arg11[%mul3A_48, %dma_start3A_57] : memref<10240x128xf32, #tpu.memory_space<vmem_shared>> -> memref<640x128xf32, #tpu.memory_space<vmem_shared>>
        tpu.enqueue_dma source(%dma_start3A_58 : memref<640x128xf32, #tpu.memory_space<vmem_shared>>) target(%dma_start3A_56 : memref<640x128xf32, #tpu.memory_space<hbm>>) target_semaphore(%run_scoped3A : memref<!tpu.dma_semaphore, #tpu.memory_space<semaphore_mem>>)
        %dma_wait3A = arith.constant 0 : i32
        %dma_wait3A_59 = tpu.memref_slice %arg6[%mul3A_48, %dma_wait3A] : memref<10240x128xf32, #tpu.memory_space<hbm>> -> memref<640x128xf32, #tpu.memory_space<hbm>>
        %dma_wait3A_60 = arith.constant 0 : i32
        %dma_wait3A_61 = tpu.memref_slice %arg11[%mul3A_48, %dma_wait3A_60] : memref<10240x128xf32, #tpu.memory_space<vmem_shared>> -> memref<640x128xf32, #tpu.memory_space<vmem_shared>>
        tpu.wait_dma2 semaphore(%run_scoped3A : memref<!tpu.dma_semaphore, #tpu.memory_space<semaphore_mem>>) src(%dma_wait3A_61 : memref<640x128xf32, #tpu.memory_space<vmem_shared>>) dst(%dma_wait3A_59 : memref<640x128xf32, #tpu.memory_space<hbm>>)
        tpu.yield
      }) : () -> ()
    } else {
    }
    return
  }
}

#map = affine_map<(d0, d1) -> (0)>
module attributes {stable_mosaic.version = 14 : i64} {
  func.func @_deg_kernel_body(%arg0: i32, %arg1: i32, %arg2: memref<320000xi32, #tpu.memory_space<hbm>>, %arg3: memref<327680xf32, #tpu.memory_space<hbm>>, %arg4: memref<80xi32, #tpu.memory_space<vmem>>, %arg5: memref<10240xf32, #tpu.memory_space<vmem>>) attributes {dimension_semantics = [#tpu.dimension_semantics<core_parallel>, #tpu.dimension_semantics<subcore_parallel>], iteration_bounds = array<i64: 2, 16>, scalar_prefetch = 0 : i64, scratch_operands = 2 : i64, tpu.core_type = #tpu.core_type<sc_vector_subcore>, window_params = [{transform_indices = #map}, {transform_indices = #map}]} {
    %mul3A = arith.constant 16 : i32
    %mul3A_0 = arith.muli %arg0, %mul3A : i32
    %add3A = arith.addi %mul3A_0, %arg1 : i32
    %broadcast_in_dim3A = arith.constant 1.000000e+00 : f32
    %broadcast_in_dim3A_1 = vector.broadcast %broadcast_in_dim3A : f32 to vector<16xf32>
    %scan3A = arith.constant 0 : i32
    %scan3A_2 = arith.constant 0 : i32
    %scan3A_3 = arith.constant 640 : i32
    %scan3A_4 = arith.addi %scan3A_2, %scan3A_3 : i32
    %scan3A_5 = arith.constant 1 : i32
    scf.for %scan3A_17 = %scan3A_2 to %scan3A_4 step %scan3A_5  : i32 {
      %broadcast_in_dim3A_18 = arith.constant 0.000000e+00 : f32
      %broadcast_in_dim3A_19 = vector.broadcast %broadcast_in_dim3A_18 : f32 to vector<16xf32>
      %mul3A_20 = arith.constant 16 : i32
      %mul3A_21 = arith.muli %scan3A_17, %mul3A_20 : i32
      %swap3A = arith.index_cast %mul3A_21 : i32 to index
      %swap3A_22 = tpu.vector_load %arg5[%swap3A] {strides = array<i32>} : memref<10240xf32, #tpu.memory_space<vmem>>, vector<16xf32>,
      tpu.vector_store %arg5[%swap3A], %broadcast_in_dim3A_19 {strides = array<i32>} : memref<10240xf32, #tpu.memory_space<vmem>>, vector<16xf32>,
    }
    %scan3A_6 = arith.constant 640 : i32
    %mul3A_7 = arith.constant 10000 : i32
    %mul3A_8 = arith.muli %add3A, %mul3A_7 : i32
    %scan3A_9 = arith.constant 0 : i32
    %scan3A_10 = arith.constant 0 : i32
    %scan3A_11 = arith.constant 125 : i32
    %scan3A_12 = arith.addi %scan3A_10, %scan3A_11 : i32
    %scan3A_13 = arith.constant 1 : i32
    scf.for %scan3A_17 = %scan3A_10 to %scan3A_12 step %scan3A_13  : i32 {
      %mul3A_18 = arith.constant 80 : i32
      %mul3A_19 = arith.muli %scan3A_17, %mul3A_18 : i32
      %add3A_20 = arith.addi %mul3A_8, %mul3A_19 : i32
      "tpu.region"() ({
        %run_scoped3A = tpu.sem_alloc : memref<!tpu.dma_semaphore, #tpu.memory_space<semaphore_mem>>
        %dma_start3A = tpu.memref_slice %arg2[%add3A_20] : memref<320000xi32, #tpu.memory_space<hbm>> -> memref<80xi32, #tpu.memory_space<hbm>>
        %dma_start3A_30 = tpu.memref_slice %arg2[%add3A_20] : memref<320000xi32, #tpu.memory_space<hbm>> -> memref<80xi32, #tpu.memory_space<hbm>>
        tpu.enqueue_dma source(%dma_start3A_30 : memref<80xi32, #tpu.memory_space<hbm>>) target(%arg4 : memref<80xi32, #tpu.memory_space<vmem>>) target_semaphore(%run_scoped3A : memref<!tpu.dma_semaphore, #tpu.memory_space<semaphore_mem>>)
        %dma_wait3A = tpu.memref_slice %arg2[%add3A_20] : memref<320000xi32, #tpu.memory_space<hbm>> -> memref<80xi32, #tpu.memory_space<hbm>>
        %dma_wait3A_31 = tpu.memref_slice %arg2[%add3A_20] : memref<320000xi32, #tpu.memory_space<hbm>> -> memref<80xi32, #tpu.memory_space<hbm>>
        tpu.wait_dma2 semaphore(%run_scoped3A : memref<!tpu.dma_semaphore, #tpu.memory_space<semaphore_mem>>) src(%dma_wait3A_31 : memref<80xi32, #tpu.memory_space<hbm>>) dst(%arg4 : memref<80xi32, #tpu.memory_space<vmem>>)
        tpu.yield
      }) : () -> ()
      %get3A = arith.constant 0 : index
      %get3A_21 = tpu.vector_load %arg4[%get3A] {strides = array<i32>} : memref<80xi32, #tpu.memory_space<vmem>>, vector<16xi32>,
      tpu.vector_store_idx %arg5[%get3A_21], %broadcast_in_dim3A_1 {add = true} : memref<10240xf32, #tpu.memory_space<vmem>>[vector<16xi32>], vector<16xf32>,
      %get3A_22 = arith.constant 16 : index
      %get3A_23 = tpu.vector_load %arg4[%get3A_22] {strides = array<i32>} : memref<80xi32, #tpu.memory_space<vmem>>, vector<16xi32>,
      tpu.vector_store_idx %arg5[%get3A_23], %broadcast_in_dim3A_1 {add = true} : memref<10240xf32, #tpu.memory_space<vmem>>[vector<16xi32>], vector<16xf32>,
      %get3A_24 = arith.constant 32 : index
      %get3A_25 = tpu.vector_load %arg4[%get3A_24] {strides = array<i32>} : memref<80xi32, #tpu.memory_space<vmem>>, vector<16xi32>,
      tpu.vector_store_idx %arg5[%get3A_25], %broadcast_in_dim3A_1 {add = true} : memref<10240xf32, #tpu.memory_space<vmem>>[vector<16xi32>], vector<16xf32>,
      %get3A_26 = arith.constant 48 : index
      %get3A_27 = tpu.vector_load %arg4[%get3A_26] {strides = array<i32>} : memref<80xi32, #tpu.memory_space<vmem>>, vector<16xi32>,
      tpu.vector_store_idx %arg5[%get3A_27], %broadcast_in_dim3A_1 {add = true} : memref<10240xf32, #tpu.memory_space<vmem>>[vector<16xi32>], vector<16xf32>,
      %get3A_28 = arith.constant 64 : index
      %get3A_29 = tpu.vector_load %arg4[%get3A_28] {strides = array<i32>} : memref<80xi32, #tpu.memory_space<vmem>>, vector<16xi32>,
      tpu.vector_store_idx %arg5[%get3A_29], %broadcast_in_dim3A_1 {add = true} : memref<10240xf32, #tpu.memory_space<vmem>>[vector<16xi32>], vector<16xf32>,
    }
    %scan3A_14 = arith.constant 125 : i32
    %mul3A_15 = arith.constant 10240 : i32
    %mul3A_16 = arith.muli %add3A, %mul3A_15 : i32
    "tpu.region"() ({
      %run_scoped3A = tpu.sem_alloc : memref<!tpu.dma_semaphore, #tpu.memory_space<semaphore_mem>>
      %dma_start3A = tpu.memref_slice %arg3[%mul3A_16] : memref<327680xf32, #tpu.memory_space<hbm>> -> memref<10240xf32, #tpu.memory_space<hbm>>
      %dma_start3A_17 = tpu.memref_slice %arg3[%mul3A_16] : memref<327680xf32, #tpu.memory_space<hbm>> -> memref<10240xf32, #tpu.memory_space<hbm>>
      tpu.enqueue_dma source(%arg5 : memref<10240xf32, #tpu.memory_space<vmem>>) target(%dma_start3A_17 : memref<10240xf32, #tpu.memory_space<hbm>>) target_semaphore(%run_scoped3A : memref<!tpu.dma_semaphore, #tpu.memory_space<semaphore_mem>>)
      %dma_wait3A = tpu.memref_slice %arg3[%mul3A_16] : memref<327680xf32, #tpu.memory_space<hbm>> -> memref<10240xf32, #tpu.memory_space<hbm>>
      %dma_wait3A_18 = tpu.memref_slice %arg3[%mul3A_16] : memref<327680xf32, #tpu.memory_space<hbm>> -> memref<10240xf32, #tpu.memory_space<hbm>>
      tpu.wait_dma2 semaphore(%run_scoped3A : memref<!tpu.dma_semaphore, #tpu.memory_space<semaphore_mem>>) src(%arg5 : memref<10240xf32, #tpu.memory_space<vmem>>) dst(%dma_wait3A_18 : memref<10240xf32, #tpu.memory_space<hbm>>)
      tpu.yield
    }) : () -> ()
    return
  }
}

#map = affine_map<(d0, d1) -> (0)>
#map1 = affine_map<(d0, d1) -> (0, 0)>
module attributes {stable_mosaic.version = 14 : i64} {
  func.func @_hop_kernel_body(%arg0: i32, %arg1: i32, %arg2: memref<320000xi32, #tpu.memory_space<hbm>>, %arg3: memref<320000xi32, #tpu.memory_space<hbm>>, %arg4: memref<10000x128xf32, #tpu.memory_space<hbm>>, %arg5: memref<10240x128xf32, #tpu.memory_space<hbm>>, %arg6: memref<10240x128xf32, #tpu.memory_space<hbm>>, %arg7: memref<80xi32, #tpu.memory_space<vmem>>, %arg8: memref<80xi32, #tpu.memory_space<vmem>>, %arg9: memref<80x128xf32, #tpu.memory_space<vmem>>, %arg10: memref<!tpu.dma_semaphore, #tpu.memory_space<semaphore_mem>>, %arg11: memref<10240x128xf32, #tpu.memory_space<vmem_shared>>) attributes {dimension_semantics = [#tpu.dimension_semantics<core_parallel>, #tpu.dimension_semantics<subcore_parallel>], iteration_bounds = array<i64: 2, 16>, scalar_prefetch = 0 : i64, scratch_operands = 5 : i64, tpu.core_type = #tpu.core_type<sc_vector_subcore>, window_params = [{transform_indices = #map}, {transform_indices = #map}, {transform_indices = #map1}, {transform_indices = #map1}, {transform_indices = #map1}]} {
    %scan3A = arith.constant 0 : i32
    %scan3A_0 = arith.constant 0 : i32
    %scan3A_1 = arith.constant 80 : i32
    %scan3A_2 = arith.addi %scan3A_0, %scan3A_1 : i32
    %scan3A_3 = arith.constant 1 : i32
    scf.for %scan3A_56 = %scan3A_0 to %scan3A_2 step %scan3A_3  : i32 {
      %broadcast_in_dim3A = arith.constant 0.000000e+00 : f32
      %broadcast_in_dim3A_57 = vector.broadcast %broadcast_in_dim3A : f32 to vector<16xf32>
      %swap3A = arith.index_cast %scan3A_56 : i32 to index
      %swap3A_58 = arith.constant 0 : index
      %swap3A_59 = tpu.vector_load %arg9[%swap3A, %swap3A_58] {strides = array<i32>} : memref<80x128xf32, #tpu.memory_space<vmem>>, vector<1x16xf32>,
      %swap3A_60 = vector.shape_cast %swap3A_59 : vector<1x16xf32> to vector<16xf32>
      %swap3A_61 = vector.shape_cast %broadcast_in_dim3A_57 : vector<16xf32> to vector<1x16xf32>
      tpu.vector_store %arg9[%swap3A, %swap3A_58], %swap3A_61 {strides = array<i32>} : memref<80x128xf32, #tpu.memory_space<vmem>>, vector<1x16xf32>,
      %broadcast_in_dim3A_62 = arith.constant 0.000000e+00 : f32
      %broadcast_in_dim3A_63 = vector.broadcast %broadcast_in_dim3A_62 : f32 to vector<16xf32>
      %swap3A_64 = arith.index_cast %scan3A_56 : i32 to index
      %swap3A_65 = arith.constant 16 : index
      %swap3A_66 = tpu.vector_load %arg9[%swap3A_64, %swap3A_65] {strides = array<i32>} : memref<80x128xf32, #tpu.memory_space<vmem>>, vector<1x16xf32>,
      %swap3A_67 = vector.shape_cast %swap3A_66 : vector<1x16xf32> to vector<16xf32>
      %swap3A_68 = vector.shape_cast %broadcast_in_dim3A_63 : vector<16xf32> to vector<1x16xf32>
      tpu.vector_store %arg9[%swap3A_64, %swap3A_65], %swap3A_68 {strides = array<i32>} : memref<80x128xf32, #tpu.memory_space<vmem>>, vector<1x16xf32>,
      %broadcast_in_dim3A_69 = arith.constant 0.000000e+00 : f32
      %broadcast_in_dim3A_70 = vector.broadcast %broadcast_in_dim3A_69 : f32 to vector<16xf32>
      %swap3A_71 = arith.index_cast %scan3A_56 : i32 to index
      %swap3A_72 = arith.constant 32 : index
      %swap3A_73 = tpu.vector_load %arg9[%swap3A_71, %swap3A_72] {strides = array<i32>} : memref<80x128xf32, #tpu.memory_space<vmem>>, vector<1x16xf32>,
      %swap3A_74 = vector.shape_cast %swap3A_73 : vector<1x16xf32> to vector<16xf32>
      %swap3A_75 = vector.shape_cast %broadcast_in_dim3A_70 : vector<16xf32> to vector<1x16xf32>
      tpu.vector_store %arg9[%swap3A_71, %swap3A_72], %swap3A_75 {strides = array<i32>} : memref<80x128xf32, #tpu.memory_space<vmem>>, vector<1x16xf32>,
      %broadcast_in_dim3A_76 = arith.constant 0.000000e+00 : f32
      %broadcast_in_dim3A_77 = vector.broadcast %broadcast_in_dim3A_76 : f32 to vector<16xf32>
      %swap3A_78 = arith.index_cast %scan3A_56 : i32 to index
      %swap3A_79 = arith.constant 48 : index
      %swap3A_80 = tpu.vector_load %arg9[%swap3A_78, %swap3A_79] {strides = array<i32>} : memref<80x128xf32, #tpu.memory_space<vmem>>, vector<1x16xf32>,
      %swap3A_81 = vector.shape_cast %swap3A_80 : vector<1x16xf32> to vector<16xf32>
      %swap3A_82 = vector.shape_cast %broadcast_in_dim3A_77 : vector<16xf32> to vector<1x16xf32>
      tpu.vector_store %arg9[%swap3A_78, %swap3A_79], %swap3A_82 {strides = array<i32>} : memref<80x128xf32, #tpu.memory_space<vmem>>, vector<1x16xf32>,
      %broadcast_in_dim3A_83 = arith.constant 0.000000e+00 : f32
      %broadcast_in_dim3A_84 = vector.broadcast %broadcast_in_dim3A_83 : f32 to vector<16xf32>
      %swap3A_85 = arith.index_cast %scan3A_56 : i32 to index
      %swap3A_86 = arith.constant 64 : index
      %swap3A_87 = tpu.vector_load %arg9[%swap3A_85, %swap3A_86] {strides = array<i32>} : memref<80x128xf32, #tpu.memory_space<vmem>>, vector<1x16xf32>,
      %swap3A_88 = vector.shape_cast %swap3A_87 : vector<1x16xf32> to vector<16xf32>
      %swap3A_89 = vector.shape_cast %broadcast_in_dim3A_84 : vector<16xf32> to vector<1x16xf32>
      tpu.vector_store %arg9[%swap3A_85, %swap3A_86], %swap3A_89 {strides = array<i32>} : memref<80x128xf32, #tpu.memory_space<vmem>>, vector<1x16xf32>,
      %broadcast_in_dim3A_90 = arith.constant 0.000000e+00 : f32
      %broadcast_in_dim3A_91 = vector.broadcast %broadcast_in_dim3A_90 : f32 to vector<16xf32>
      %swap3A_92 = arith.index_cast %scan3A_56 : i32 to index
      %swap3A_93 = arith.constant 80 : index
      %swap3A_94 = tpu.vector_load %arg9[%swap3A_92, %swap3A_93] {strides = array<i32>} : memref<80x128xf32, #tpu.memory_space<vmem>>, vector<1x16xf32>,
      %swap3A_95 = vector.shape_cast %swap3A_94 : vector<1x16xf32> to vector<16xf32>
      %swap3A_96 = vector.shape_cast %broadcast_in_dim3A_91 : vector<16xf32> to vector<1x16xf32>
      tpu.vector_store %arg9[%swap3A_92, %swap3A_93], %swap3A_96 {strides = array<i32>} : memref<80x128xf32, #tpu.memory_space<vmem>>, vector<1x16xf32>,
      %broadcast_in_dim3A_97 = arith.constant 0.000000e+00 : f32
      %broadcast_in_dim3A_98 = vector.broadcast %broadcast_in_dim3A_97 : f32 to vector<16xf32>
      %swap3A_99 = arith.index_cast %scan3A_56 : i32 to index
      %swap3A_100 = arith.constant 96 : index
      %swap3A_101 = tpu.vector_load %arg9[%swap3A_99, %swap3A_100] {strides = array<i32>} : memref<80x128xf32, #tpu.memory_space<vmem>>, vector<1x16xf32>,
      %swap3A_102 = vector.shape_cast %swap3A_101 : vector<1x16xf32> to vector<16xf32>
      %swap3A_103 = vector.shape_cast %broadcast_in_dim3A_98 : vector<16xf32> to vector<1x16xf32>
      tpu.vector_store %arg9[%swap3A_99, %swap3A_100], %swap3A_103 {strides = array<i32>} : memref<80x128xf32, #tpu.memory_space<vmem>>, vector<1x16xf32>,
      %broadcast_in_dim3A_104 = arith.constant 0.000000e+00 : f32
      %broadcast_in_dim3A_105 = vector.broadcast %broadcast_in_dim3A_104 : f32 to vector<16xf32>
      %swap3A_106 = arith.index_cast %scan3A_56 : i32 to index
      %swap3A_107 = arith.constant 112 : index
      %swap3A_108 = tpu.vector_load %arg9[%swap3A_106, %swap3A_107] {strides = array<i32>} : memref<80x128xf32, #tpu.memory_space<vmem>>, vector<1x16xf32>,
      %swap3A_109 = vector.shape_cast %swap3A_108 : vector<1x16xf32> to vector<16xf32>
      %swap3A_110 = vector.shape_cast %broadcast_in_dim3A_105 : vector<16xf32> to vector<1x16xf32>
      tpu.vector_store %arg9[%swap3A_106, %swap3A_107], %swap3A_110 {strides = array<i32>} : memref<80x128xf32, #tpu.memory_space<vmem>>, vector<1x16xf32>,
    }
    %scan3A_4 = arith.constant 80 : i32
    %mul3A = arith.constant 640 : i32
    %mul3A_5 = arith.muli %arg1, %mul3A : i32
    %add3A = arith.constant 0 : i32
    %add3A_6 = arith.addi %mul3A_5, %add3A : i32
    "tpu.region"() ({
      %run_scoped3A = tpu.sem_alloc : memref<!tpu.dma_semaphore, #tpu.memory_space<semaphore_mem>>
      %dma_start3A = arith.constant 0 : i32
      %dma_start3A_56 = tpu.memref_slice %arg11[%add3A_6, %dma_start3A] : memref<10240x128xf32, #tpu.memory_space<vmem_shared>> -> memref<80x128xf32, #tpu.memory_space<vmem_shared>>
      %dma_start3A_57 = arith.constant 0 : i32
      %dma_start3A_58 = tpu.memref_slice %arg11[%add3A_6, %dma_start3A_57] : memref<10240x128xf32, #tpu.memory_space<vmem_shared>> -> memref<80x128xf32, #tpu.memory_space<vmem_shared>>
      tpu.enqueue_dma source(%arg9 : memref<80x128xf32, #tpu.memory_space<vmem>>) target(%dma_start3A_58 : memref<80x128xf32, #tpu.memory_space<vmem_shared>>) target_semaphore(%run_scoped3A : memref<!tpu.dma_semaphore, #tpu.memory_space<semaphore_mem>>)
      %dma_wait3A = arith.constant 0 : i32
      %dma_wait3A_59 = tpu.memref_slice %arg11[%add3A_6, %dma_wait3A] : memref<10240x128xf32, #tpu.memory_space<vmem_shared>> -> memref<80x128xf32, #tpu.memory_space<vmem_shared>>
      %dma_wait3A_60 = arith.constant 0 : i32
      %dma_wait3A_61 = tpu.memref_slice %arg11[%add3A_6, %dma_wait3A_60] : memref<10240x128xf32, #tpu.memory_space<vmem_shared>> -> memref<80x128xf32, #tpu.memory_space<vmem_shared>>
      tpu.wait_dma2 semaphore(%run_scoped3A : memref<!tpu.dma_semaphore, #tpu.memory_space<semaphore_mem>>) src(%arg9 : memref<80x128xf32, #tpu.memory_space<vmem>>) dst(%dma_wait3A_61 : memref<80x128xf32, #tpu.memory_space<vmem_shared>>)
      tpu.yield
    }) : () -> ()
    %mul3A_7 = arith.constant 640 : i32
    %mul3A_8 = arith.muli %arg1, %mul3A_7 : i32
    %add3A_9 = arith.constant 80 : i32
    %add3A_10 = arith.addi %mul3A_8, %add3A_9 : i32
    "tpu.region"() ({
      %run_scoped3A = tpu.sem_alloc : memref<!tpu.dma_semaphore, #tpu.memory_space<semaphore_mem>>
      %dma_start3A = arith.constant 0 : i32
      %dma_start3A_56 = tpu.memref_slice %arg11[%add3A_10, %dma_start3A] : memref<10240x128xf32, #tpu.memory_space<vmem_shared>> -> memref<80x128xf32, #tpu.memory_space<vmem_shared>>
      %dma_start3A_57 = arith.constant 0 : i32
      %dma_start3A_58 = tpu.memref_slice %arg11[%add3A_10, %dma_start3A_57] : memref<10240x128xf32, #tpu.memory_space<vmem_shared>> -> memref<80x128xf32, #tpu.memory_space<vmem_shared>>
      tpu.enqueue_dma source(%arg9 : memref<80x128xf32, #tpu.memory_space<vmem>>) target(%dma_start3A_58 : memref<80x128xf32, #tpu.memory_space<vmem_shared>>) target_semaphore(%run_scoped3A : memref<!tpu.dma_semaphore, #tpu.memory_space<semaphore_mem>>)
      %dma_wait3A = arith.constant 0 : i32
      %dma_wait3A_59 = tpu.memref_slice %arg11[%add3A_10, %dma_wait3A] : memref<10240x128xf32, #tpu.memory_space<vmem_shared>> -> memref<80x128xf32, #tpu.memory_space<vmem_shared>>
      %dma_wait3A_60 = arith.constant 0 : i32
      %dma_wait3A_61 = tpu.memref_slice %arg11[%add3A_10, %dma_wait3A_60] : memref<10240x128xf32, #tpu.memory_space<vmem_shared>> -> memref<80x128xf32, #tpu.memory_space<vmem_shared>>
      tpu.wait_dma2 semaphore(%run_scoped3A : memref<!tpu.dma_semaphore, #tpu.memory_space<semaphore_mem>>) src(%arg9 : memref<80x128xf32, #tpu.memory_space<vmem>>) dst(%dma_wait3A_61 : memref<80x128xf32, #tpu.memory_space<vmem_shared>>)
      tpu.yield
    }) : () -> ()
    %mul3A_11 = arith.constant 640 : i32
    %mul3A_12 = arith.muli %arg1, %mul3A_11 : i32
    %add3A_13 = arith.constant 160 : i32
    %add3A_14 = arith.addi %mul3A_12, %add3A_13 : i32
    "tpu.region"() ({
      %run_scoped3A = tpu.sem_alloc : memref<!tpu.dma_semaphore, #tpu.memory_space<semaphore_mem>>
      %dma_start3A = arith.constant 0 : i32
      %dma_start3A_56 = tpu.memref_slice %arg11[%add3A_14, %dma_start3A] : memref<10240x128xf32, #tpu.memory_space<vmem_shared>> -> memref<80x128xf32, #tpu.memory_space<vmem_shared>>
      %dma_start3A_57 = arith.constant 0 : i32
      %dma_start3A_58 = tpu.memref_slice %arg11[%add3A_14, %dma_start3A_57] : memref<10240x128xf32, #tpu.memory_space<vmem_shared>> -> memref<80x128xf32, #tpu.memory_space<vmem_shared>>
      tpu.enqueue_dma source(%arg9 : memref<80x128xf32, #tpu.memory_space<vmem>>) target(%dma_start3A_58 : memref<80x128xf32, #tpu.memory_space<vmem_shared>>) target_semaphore(%run_scoped3A : memref<!tpu.dma_semaphore, #tpu.memory_space<semaphore_mem>>)
      %dma_wait3A = arith.constant 0 : i32
      %dma_wait3A_59 = tpu.memref_slice %arg11[%add3A_14, %dma_wait3A] : memref<10240x128xf32, #tpu.memory_space<vmem_shared>> -> memref<80x128xf32, #tpu.memory_space<vmem_shared>>
      %dma_wait3A_60 = arith.constant 0 : i32
      %dma_wait3A_61 = tpu.memref_slice %arg11[%add3A_14, %dma_wait3A_60] : memref<10240x128xf32, #tpu.memory_space<vmem_shared>> -> memref<80x128xf32, #tpu.memory_space<vmem_shared>>
      tpu.wait_dma2 semaphore(%run_scoped3A : memref<!tpu.dma_semaphore, #tpu.memory_space<semaphore_mem>>) src(%arg9 : memref<80x128xf32, #tpu.memory_space<vmem>>) dst(%dma_wait3A_61 : memref<80x128xf32, #tpu.memory_space<vmem_shared>>)
      tpu.yield
    }) : () -> ()
    %mul3A_15 = arith.constant 640 : i32
    %mul3A_16 = arith.muli %arg1, %mul3A_15 : i32
    %add3A_17 = arith.constant 240 : i32
    %add3A_18 = arith.addi %mul3A_16, %add3A_17 : i32
    "tpu.region"() ({
      %run_scoped3A = tpu.sem_alloc : memref<!tpu.dma_semaphore, #tpu.memory_space<semaphore_mem>>
      %dma_start3A = arith.constant 0 : i32
      %dma_start3A_56 = tpu.memref_slice %arg11[%add3A_18, %dma_start3A] : memref<10240x128xf32, #tpu.memory_space<vmem_shared>> -> memref<80x128xf32, #tpu.memory_space<vmem_shared>>
      %dma_start3A_57 = arith.constant 0 : i32
      %dma_start3A_58 = tpu.memref_slice %arg11[%add3A_18, %dma_start3A_57] : memref<10240x128xf32, #tpu.memory_space<vmem_shared>> -> memref<80x128xf32, #tpu.memory_space<vmem_shared>>
      tpu.enqueue_dma source(%arg9 : memref<80x128xf32, #tpu.memory_space<vmem>>) target(%dma_start3A_58 : memref<80x128xf32, #tpu.memory_space<vmem_shared>>) target_semaphore(%run_scoped3A : memref<!tpu.dma_semaphore, #tpu.memory_space<semaphore_mem>>)
      %dma_wait3A = arith.constant 0 : i32
      %dma_wait3A_59 = tpu.memref_slice %arg11[%add3A_18, %dma_wait3A] : memref<10240x128xf32, #tpu.memory_space<vmem_shared>> -> memref<80x128xf32, #tpu.memory_space<vmem_shared>>
      %dma_wait3A_60 = arith.constant 0 : i32
      %dma_wait3A_61 = tpu.memref_slice %arg11[%add3A_18, %dma_wait3A_60] : memref<10240x128xf32, #tpu.memory_space<vmem_shared>> -> memref<80x128xf32, #tpu.memory_space<vmem_shared>>
      tpu.wait_dma2 semaphore(%run_scoped3A : memref<!tpu.dma_semaphore, #tpu.memory_space<semaphore_mem>>) src(%arg9 : memref<80x128xf32, #tpu.memory_space<vmem>>) dst(%dma_wait3A_61 : memref<80x128xf32, #tpu.memory_space<vmem_shared>>)
      tpu.yield
    }) : () -> ()
    %mul3A_19 = arith.constant 640 : i32
    %mul3A_20 = arith.muli %arg1, %mul3A_19 : i32
    %add3A_21 = arith.constant 320 : i32
    %add3A_22 = arith.addi %mul3A_20, %add3A_21 : i32
    "tpu.region"() ({
      %run_scoped3A = tpu.sem_alloc : memref<!tpu.dma_semaphore, #tpu.memory_space<semaphore_mem>>
      %dma_start3A = arith.constant 0 : i32
      %dma_start3A_56 = tpu.memref_slice %arg11[%add3A_22, %dma_start3A] : memref<10240x128xf32, #tpu.memory_space<vmem_shared>> -> memref<80x128xf32, #tpu.memory_space<vmem_shared>>
      %dma_start3A_57 = arith.constant 0 : i32
      %dma_start3A_58 = tpu.memref_slice %arg11[%add3A_22, %dma_start3A_57] : memref<10240x128xf32, #tpu.memory_space<vmem_shared>> -> memref<80x128xf32, #tpu.memory_space<vmem_shared>>
      tpu.enqueue_dma source(%arg9 : memref<80x128xf32, #tpu.memory_space<vmem>>) target(%dma_start3A_58 : memref<80x128xf32, #tpu.memory_space<vmem_shared>>) target_semaphore(%run_scoped3A : memref<!tpu.dma_semaphore, #tpu.memory_space<semaphore_mem>>)
      %dma_wait3A = arith.constant 0 : i32
      %dma_wait3A_59 = tpu.memref_slice %arg11[%add3A_22, %dma_wait3A] : memref<10240x128xf32, #tpu.memory_space<vmem_shared>> -> memref<80x128xf32, #tpu.memory_space<vmem_shared>>
      %dma_wait3A_60 = arith.constant 0 : i32
      %dma_wait3A_61 = tpu.memref_slice %arg11[%add3A_22, %dma_wait3A_60] : memref<10240x128xf32, #tpu.memory_space<vmem_shared>> -> memref<80x128xf32, #tpu.memory_space<vmem_shared>>
      tpu.wait_dma2 semaphore(%run_scoped3A : memref<!tpu.dma_semaphore, #tpu.memory_space<semaphore_mem>>) src(%arg9 : memref<80x128xf32, #tpu.memory_space<vmem>>) dst(%dma_wait3A_61 : memref<80x128xf32, #tpu.memory_space<vmem_shared>>)
      tpu.yield
    }) : () -> ()
    %mul3A_23 = arith.constant 640 : i32
    %mul3A_24 = arith.muli %arg1, %mul3A_23 : i32
    %add3A_25 = arith.constant 400 : i32
    %add3A_26 = arith.addi %mul3A_24, %add3A_25 : i32
    "tpu.region"() ({
      %run_scoped3A = tpu.sem_alloc : memref<!tpu.dma_semaphore, #tpu.memory_space<semaphore_mem>>
      %dma_start3A = arith.constant 0 : i32
      %dma_start3A_56 = tpu.memref_slice %arg11[%add3A_26, %dma_start3A] : memref<10240x128xf32, #tpu.memory_space<vmem_shared>> -> memref<80x128xf32, #tpu.memory_space<vmem_shared>>
      %dma_start3A_57 = arith.constant 0 : i32
      %dma_start3A_58 = tpu.memref_slice %arg11[%add3A_26, %dma_start3A_57] : memref<10240x128xf32, #tpu.memory_space<vmem_shared>> -> memref<80x128xf32, #tpu.memory_space<vmem_shared>>
      tpu.enqueue_dma source(%arg9 : memref<80x128xf32, #tpu.memory_space<vmem>>) target(%dma_start3A_58 : memref<80x128xf32, #tpu.memory_space<vmem_shared>>) target_semaphore(%run_scoped3A : memref<!tpu.dma_semaphore, #tpu.memory_space<semaphore_mem>>)
      %dma_wait3A = arith.constant 0 : i32
      %dma_wait3A_59 = tpu.memref_slice %arg11[%add3A_26, %dma_wait3A] : memref<10240x128xf32, #tpu.memory_space<vmem_shared>> -> memref<80x128xf32, #tpu.memory_space<vmem_shared>>
      %dma_wait3A_60 = arith.constant 0 : i32
      %dma_wait3A_61 = tpu.memref_slice %arg11[%add3A_26, %dma_wait3A_60] : memref<10240x128xf32, #tpu.memory_space<vmem_shared>> -> memref<80x128xf32, #tpu.memory_space<vmem_shared>>
      tpu.wait_dma2 semaphore(%run_scoped3A : memref<!tpu.dma_semaphore, #tpu.memory_space<semaphore_mem>>) src(%arg9 : memref<80x128xf32, #tpu.memory_space<vmem>>) dst(%dma_wait3A_61 : memref<80x128xf32, #tpu.memory_space<vmem_shared>>)
      tpu.yield
    }) : () -> ()
    %mul3A_27 = arith.constant 640 : i32
    %mul3A_28 = arith.muli %arg1, %mul3A_27 : i32
    %add3A_29 = arith.constant 480 : i32
    %add3A_30 = arith.addi %mul3A_28, %add3A_29 : i32
    "tpu.region"() ({
      %run_scoped3A = tpu.sem_alloc : memref<!tpu.dma_semaphore, #tpu.memory_space<semaphore_mem>>
      %dma_start3A = arith.constant 0 : i32
      %dma_start3A_56 = tpu.memref_slice %arg11[%add3A_30, %dma_start3A] : memref<10240x128xf32, #tpu.memory_space<vmem_shared>> -> memref<80x128xf32, #tpu.memory_space<vmem_shared>>
      %dma_start3A_57 = arith.constant 0 : i32
      %dma_start3A_58 = tpu.memref_slice %arg11[%add3A_30, %dma_start3A_57] : memref<10240x128xf32, #tpu.memory_space<vmem_shared>> -> memref<80x128xf32, #tpu.memory_space<vmem_shared>>
      tpu.enqueue_dma source(%arg9 : memref<80x128xf32, #tpu.memory_space<vmem>>) target(%dma_start3A_58 : memref<80x128xf32, #tpu.memory_space<vmem_shared>>) target_semaphore(%run_scoped3A : memref<!tpu.dma_semaphore, #tpu.memory_space<semaphore_mem>>)
      %dma_wait3A = arith.constant 0 : i32
      %dma_wait3A_59 = tpu.memref_slice %arg11[%add3A_30, %dma_wait3A] : memref<10240x128xf32, #tpu.memory_space<vmem_shared>> -> memref<80x128xf32, #tpu.memory_space<vmem_shared>>
      %dma_wait3A_60 = arith.constant 0 : i32
      %dma_wait3A_61 = tpu.memref_slice %arg11[%add3A_30, %dma_wait3A_60] : memref<10240x128xf32, #tpu.memory_space<vmem_shared>> -> memref<80x128xf32, #tpu.memory_space<vmem_shared>>
      tpu.wait_dma2 semaphore(%run_scoped3A : memref<!tpu.dma_semaphore, #tpu.memory_space<semaphore_mem>>) src(%arg9 : memref<80x128xf32, #tpu.memory_space<vmem>>) dst(%dma_wait3A_61 : memref<80x128xf32, #tpu.memory_space<vmem_shared>>)
      tpu.yield
    }) : () -> ()
    %mul3A_31 = arith.constant 640 : i32
    %mul3A_32 = arith.muli %arg1, %mul3A_31 : i32
    %add3A_33 = arith.constant 560 : i32
    %add3A_34 = arith.addi %mul3A_32, %add3A_33 : i32
    "tpu.region"() ({
      %run_scoped3A = tpu.sem_alloc : memref<!tpu.dma_semaphore, #tpu.memory_space<semaphore_mem>>
      %dma_start3A = arith.constant 0 : i32
      %dma_start3A_56 = tpu.memref_slice %arg11[%add3A_34, %dma_start3A] : memref<10240x128xf32, #tpu.memory_space<vmem_shared>> -> memref<80x128xf32, #tpu.memory_space<vmem_shared>>
      %dma_start3A_57 = arith.constant 0 : i32
      %dma_start3A_58 = tpu.memref_slice %arg11[%add3A_34, %dma_start3A_57] : memref<10240x128xf32, #tpu.memory_space<vmem_shared>> -> memref<80x128xf32, #tpu.memory_space<vmem_shared>>
      tpu.enqueue_dma source(%arg9 : memref<80x128xf32, #tpu.memory_space<vmem>>) target(%dma_start3A_58 : memref<80x128xf32, #tpu.memory_space<vmem_shared>>) target_semaphore(%run_scoped3A : memref<!tpu.dma_semaphore, #tpu.memory_space<semaphore_mem>>)
      %dma_wait3A = arith.constant 0 : i32
      %dma_wait3A_59 = tpu.memref_slice %arg11[%add3A_34, %dma_wait3A] : memref<10240x128xf32, #tpu.memory_space<vmem_shared>> -> memref<80x128xf32, #tpu.memory_space<vmem_shared>>
      %dma_wait3A_60 = arith.constant 0 : i32
      %dma_wait3A_61 = tpu.memref_slice %arg11[%add3A_34, %dma_wait3A_60] : memref<10240x128xf32, #tpu.memory_space<vmem_shared>> -> memref<80x128xf32, #tpu.memory_space<vmem_shared>>
      tpu.wait_dma2 semaphore(%run_scoped3A : memref<!tpu.dma_semaphore, #tpu.memory_space<semaphore_mem>>) src(%arg9 : memref<80x128xf32, #tpu.memory_space<vmem>>) dst(%dma_wait3A_61 : memref<80x128xf32, #tpu.memory_space<vmem_shared>>)
      tpu.yield
    }) : () -> ()
    %barrier3A = arith.constant 0 : index
    tpu.barrier barrier_id(%barrier3A)
    %mul3A_35 = arith.constant 16 : i32
    %mul3A_36 = arith.muli %arg0, %mul3A_35 : i32
    %add3A_37 = arith.addi %mul3A_36, %arg1 : i32
    %mul3A_38 = arith.constant 10000 : i32
    %mul3A_39 = arith.muli %add3A_37, %mul3A_38 : i32
    %scan3A_40 = arith.constant 0 : i32
    %scan3A_41 = arith.constant 0 : i32
    %scan3A_42 = arith.constant 125 : i32
    %scan3A_43 = arith.addi %scan3A_41, %scan3A_42 : i32
    %scan3A_44 = arith.constant 1 : i32
    scf.for %scan3A_56 = %scan3A_41 to %scan3A_43 step %scan3A_44  : i32 {
      %mul3A_57 = arith.constant 80 : i32
      %mul3A_58 = arith.muli %scan3A_56, %mul3A_57 : i32
      %add3A_59 = arith.addi %mul3A_39, %mul3A_58 : i32
      "tpu.region"() ({
        %run_scoped3A = tpu.sem_alloc : memref<!tpu.dma_semaphore, #tpu.memory_space<semaphore_mem>>
        %dma_start3A_64 = tpu.memref_slice %arg2[%add3A_59] : memref<320000xi32, #tpu.memory_space<hbm>> -> memref<80xi32, #tpu.memory_space<hbm>>
        %dma_start3A_65 = tpu.memref_slice %arg2[%add3A_59] : memref<320000xi32, #tpu.memory_space<hbm>> -> memref<80xi32, #tpu.memory_space<hbm>>
        tpu.enqueue_dma source(%dma_start3A_65 : memref<80xi32, #tpu.memory_space<hbm>>) target(%arg7 : memref<80xi32, #tpu.memory_space<vmem>>) target_semaphore(%run_scoped3A : memref<!tpu.dma_semaphore, #tpu.memory_space<semaphore_mem>>)
        %dma_wait3A_66 = tpu.memref_slice %arg2[%add3A_59] : memref<320000xi32, #tpu.memory_space<hbm>> -> memref<80xi32, #tpu.memory_space<hbm>>
        %dma_wait3A_67 = tpu.memref_slice %arg2[%add3A_59] : memref<320000xi32, #tpu.memory_space<hbm>> -> memref<80xi32, #tpu.memory_space<hbm>>
        tpu.wait_dma2 semaphore(%run_scoped3A : memref<!tpu.dma_semaphore, #tpu.memory_space<semaphore_mem>>) src(%dma_wait3A_67 : memref<80xi32, #tpu.memory_space<hbm>>) dst(%arg7 : memref<80xi32, #tpu.memory_space<vmem>>)
        tpu.yield
      }) : () -> ()
      "tpu.region"() ({
        %run_scoped3A = tpu.sem_alloc : memref<!tpu.dma_semaphore, #tpu.memory_space<semaphore_mem>>
        %dma_start3A_64 = tpu.memref_slice %arg3[%add3A_59] : memref<320000xi32, #tpu.memory_space<hbm>> -> memref<80xi32, #tpu.memory_space<hbm>>
        %dma_start3A_65 = tpu.memref_slice %arg3[%add3A_59] : memref<320000xi32, #tpu.memory_space<hbm>> -> memref<80xi32, #tpu.memory_space<hbm>>
        tpu.enqueue_dma source(%dma_start3A_65 : memref<80xi32, #tpu.memory_space<hbm>>) target(%arg8 : memref<80xi32, #tpu.memory_space<vmem>>) target_semaphore(%run_scoped3A : memref<!tpu.dma_semaphore, #tpu.memory_space<semaphore_mem>>)
        %dma_wait3A_66 = tpu.memref_slice %arg3[%add3A_59] : memref<320000xi32, #tpu.memory_space<hbm>> -> memref<80xi32, #tpu.memory_space<hbm>>
        %dma_wait3A_67 = tpu.memref_slice %arg3[%add3A_59] : memref<320000xi32, #tpu.memory_space<hbm>> -> memref<80xi32, #tpu.memory_space<hbm>>
        tpu.wait_dma2 semaphore(%run_scoped3A : memref<!tpu.dma_semaphore, #tpu.memory_space<semaphore_mem>>) src(%dma_wait3A_67 : memref<80xi32, #tpu.memory_space<hbm>>) dst(%arg8 : memref<80xi32, #tpu.memory_space<vmem>>)
        tpu.yield
      }) : () -> ()
      %dma_start3A = arith.constant 0 : i32
      %dma_start3A_60 = arith.constant 0 : i32
      %dma_start3A_61 = tpu.memref_slice %arg4[%dma_start3A, %dma_start3A_60] : memref<10000x128xf32, #tpu.memory_space<hbm>> -> memref<10000x128xf32, #tpu.memory_space<hbm>>
      tpu.enqueue_indirect_dma source(%dma_start3A_61 : memref<10000x128xf32, #tpu.memory_space<hbm>>) target(%arg9 : memref<80x128xf32, #tpu.memory_space<vmem>>) offsets(%arg7 : memref<80xi32, #tpu.memory_space<vmem>>) semaphore(%arg10 : memref<!tpu.dma_semaphore, #tpu.memory_space<semaphore_mem>>)
      %dma_wait3A = arith.constant 0 : i32
      %dma_wait3A_62 = arith.constant 0 : i32
      %dma_wait3A_63 = tpu.memref_slice %arg4[%dma_wait3A, %dma_wait3A_62] : memref<10000x128xf32, #tpu.memory_space<hbm>> -> memref<10000x128xf32, #tpu.memory_space<hbm>>
      tpu.wait_indirect_dma semaphore(%arg10 : memref<!tpu.dma_semaphore, #tpu.memory_space<semaphore_mem>>) src(%dma_wait3A_63 : memref<10000x128xf32, #tpu.memory_space<hbm>>) dst(%arg9 : memref<80x128xf32, #tpu.memory_space<vmem>>)
      "tpu.region"() ({
        %run_scoped3A = tpu.sem_alloc : memref<!tpu.dma_semaphore, #tpu.memory_space<semaphore_mem>>
        %dma_start3A_64 = arith.constant 0 : i32
        %dma_start3A_65 = arith.constant 0 : i32
        %dma_start3A_66 = tpu.memref_slice %arg11[%dma_start3A_64, %dma_start3A_65] : memref<10240x128xf32, #tpu.memory_space<vmem_shared>> -> memref<10240x128xf32, #tpu.memory_space<vmem_shared>>
        tpu.enqueue_indirect_dma source(%arg9 : memref<80x128xf32, #tpu.memory_space<vmem>>) target(%dma_start3A_66 : memref<10240x128xf32, #tpu.memory_space<vmem_shared>>) offsets(%arg8 : memref<80xi32, #tpu.memory_space<vmem>>) semaphore(%run_scoped3A : memref<!tpu.dma_semaphore, #tpu.memory_space<semaphore_mem>>) {add = true}
        %dma_wait3A_67 = arith.constant 0 : i32
        %dma_wait3A_68 = arith.constant 0 : i32
        %dma_wait3A_69 = tpu.memref_slice %arg11[%dma_wait3A_67, %dma_wait3A_68] : memref<10240x128xf32, #tpu.memory_space<vmem_shared>> -> memref<10240x128xf32, #tpu.memory_space<vmem_shared>>
        tpu.wait_indirect_dma semaphore(%run_scoped3A : memref<!tpu.dma_semaphore, #tpu.memory_space<semaphore_mem>>) src(%arg9 : memref<80x128xf32, #tpu.memory_space<vmem>>) dst(%dma_wait3A_69 : memref<10240x128xf32, #tpu.memory_space<vmem_shared>>)
        tpu.yield
      }) : () -> ()
    }
    %scan3A_45 = arith.constant 125 : i32
    %barrier3A_46 = arith.constant 0 : index
    tpu.barrier barrier_id(%barrier3A_46)
    %mul3A_47 = arith.constant 640 : i32
    %mul3A_48 = arith.muli %arg1, %mul3A_47 : i32
    %eq3A = arith.constant 0 : i32
    %eq3A_49 = arith.cmpi eq, %arg0, %eq3A : i32
    %convert_element_type3A = arith.extui %eq3A_49 : i1 to i32
    %cond3A = arith.constant 0 : i32
    %cond3A_50 = arith.cmpi ne, %convert_element_type3A, %cond3A : i32
    scf.if %cond3A_50 {
      "tpu.region"() ({
        %run_scoped3A = tpu.sem_alloc : memref<!tpu.dma_semaphore, #tpu.memory_space<semaphore_mem>>
        %dma_start3A = arith.constant 0 : i32
        %dma_start3A_56 = tpu.memref_slice %arg5[%mul3A_48, %dma_start3A] : memref<10240x128xf32, #tpu.memory_space<hbm>> -> memref<640x128xf32, #tpu.memory_space<hbm>>
        %dma_start3A_57 = arith.constant 0 : i32
        %dma_start3A_58 = tpu.memref_slice %arg11[%mul3A_48, %dma_start3A_57] : memref<10240x128xf32, #tpu.memory_space<vmem_shared>> -> memref<640x128xf32, #tpu.memory_space<vmem_shared>>
        tpu.enqueue_dma source(%dma_start3A_58 : memref<640x128xf32, #tpu.memory_space<vmem_shared>>) target(%dma_start3A_56 : memref<640x128xf32, #tpu.memory_space<hbm>>) target_semaphore(%run_scoped3A : memref<!tpu.dma_semaphore, #tpu.memory_space<semaphore_mem>>)
        %dma_wait3A = arith.constant 0 : i32
        %dma_wait3A_59 = tpu.memref_slice %arg5[%mul3A_48, %dma_wait3A] : memref<10240x128xf32, #tpu.memory_space<hbm>> -> memref<640x128xf32, #tpu.memory_space<hbm>>
        %dma_wait3A_60 = arith.constant 0 : i32
        %dma_wait3A_61 = tpu.memref_slice %arg11[%mul3A_48, %dma_wait3A_60] : memref<10240x128xf32, #tpu.memory_space<vmem_shared>> -> memref<640x128xf32, #tpu.memory_space<vmem_shared>>
        tpu.wait_dma2 semaphore(%run_scoped3A : memref<!tpu.dma_semaphore, #tpu.memory_space<semaphore_mem>>) src(%dma_wait3A_61 : memref<640x128xf32, #tpu.memory_space<vmem_shared>>) dst(%dma_wait3A_59 : memref<640x128xf32, #tpu.memory_space<hbm>>)
        tpu.yield
      }) : () -> ()
    } else {
    }
    %eq3A_51 = arith.constant 1 : i32
    %eq3A_52 = arith.cmpi eq, %arg0, %eq3A_51 : i32
    %convert_element_type3A_53 = arith.extui %eq3A_52 : i1 to i32
    %cond3A_54 = arith.constant 0 : i32
    %cond3A_55 = arith.cmpi ne, %convert_element_type3A_53, %cond3A_54 : i32
    scf.if %cond3A_55 {
      "tpu.region"() ({
        %run_scoped3A = tpu.sem_alloc : memref<!tpu.dma_semaphore, #tpu.memory_space<semaphore_mem>>
        %dma_start3A = arith.constant 0 : i32
        %dma_start3A_56 = tpu.memref_slice %arg6[%mul3A_48, %dma_start3A] : memref<10240x128xf32, #tpu.memory_space<hbm>> -> memref<640x128xf32, #tpu.memory_space<hbm>>
        %dma_start3A_57 = arith.constant 0 : i32
        %dma_start3A_58 = tpu.memref_slice %arg11[%mul3A_48, %dma_start3A_57] : memref<10240x128xf32, #tpu.memory_space<vmem_shared>> -> memref<640x128xf32, #tpu.memory_space<vmem_shared>>
        tpu.enqueue_dma source(%dma_start3A_58 : memref<640x128xf32, #tpu.memory_space<vmem_shared>>) target(%dma_start3A_56 : memref<640x128xf32, #tpu.memory_space<hbm>>) target_semaphore(%run_scoped3A : memref<!tpu.dma_semaphore, #tpu.memory_space<semaphore_mem>>)
        %dma_wait3A = arith.constant 0 : i32
        %dma_wait3A_59 = tpu.memref_slice %arg6[%mul3A_48, %dma_wait3A] : memref<10240x128xf32, #tpu.memory_space<hbm>> -> memref<640x128xf32, #tpu.memory_space<hbm>>
        %dma_wait3A_60 = arith.constant 0 : i32
        %dma_wait3A_61 = tpu.memref_slice %arg11[%mul3A_48, %dma_wait3A_60] : memref<10240x128xf32, #tpu.memory_space<vmem_shared>> -> memref<640x128xf32, #tpu.memory_space<vmem_shared>>
        tpu.wait_dma2 semaphore(%run_scoped3A : memref<!tpu.dma_semaphore, #tpu.memory_space<semaphore_mem>>) src(%dma_wait3A_61 : memref<640x128xf32, #tpu.memory_space<vmem_shared>>) dst(%dma_wait3A_59 : memref<640x128xf32, #tpu.memory_space<hbm>>)
        tpu.yield
      }) : () -> ()
    } else {
    }
    return
  }
}

#map = affine_map<(d0, d1) -> (0)>
#map1 = affine_map<(d0, d1) -> (0, 0)>
module attributes {stable_mosaic.version = 14 : i64} {
  func.func @_hop_kernel_body(%arg0: i32, %arg1: i32, %arg2: memref<320000xi32, #tpu.memory_space<hbm>>, %arg3: memref<320000xi32, #tpu.memory_space<hbm>>, %arg4: memref<10000x128xf32, #tpu.memory_space<hbm>>, %arg5: memref<10240x128xf32, #tpu.memory_space<hbm>>, %arg6: memref<10240x128xf32, #tpu.memory_space<hbm>>, %arg7: memref<80xi32, #tpu.memory_space<vmem>>, %arg8: memref<80xi32, #tpu.memory_space<vmem>>, %arg9: memref<80x128xf32, #tpu.memory_space<vmem>>, %arg10: memref<!tpu.dma_semaphore, #tpu.memory_space<semaphore_mem>>, %arg11: memref<10240x128xf32, #tpu.memory_space<vmem_shared>>) attributes {dimension_semantics = [#tpu.dimension_semantics<core_parallel>, #tpu.dimension_semantics<subcore_parallel>], iteration_bounds = array<i64: 2, 16>, scalar_prefetch = 0 : i64, scratch_operands = 5 : i64, tpu.core_type = #tpu.core_type<sc_vector_subcore>, window_params = [{transform_indices = #map}, {transform_indices = #map}, {transform_indices = #map1}, {transform_indices = #map1}, {transform_indices = #map1}]} {
    %scan3A = arith.constant 0 : i32
    %scan3A_0 = arith.constant 0 : i32
    %scan3A_1 = arith.constant 80 : i32
    %scan3A_2 = arith.addi %scan3A_0, %scan3A_1 : i32
    %scan3A_3 = arith.constant 1 : i32
    scf.for %scan3A_56 = %scan3A_0 to %scan3A_2 step %scan3A_3  : i32 {
      %broadcast_in_dim3A = arith.constant 0.000000e+00 : f32
      %broadcast_in_dim3A_57 = vector.broadcast %broadcast_in_dim3A : f32 to vector<16xf32>
      %swap3A = arith.index_cast %scan3A_56 : i32 to index
      %swap3A_58 = arith.constant 0 : index
      %swap3A_59 = tpu.vector_load %arg9[%swap3A, %swap3A_58] {strides = array<i32>} : memref<80x128xf32, #tpu.memory_space<vmem>>, vector<1x16xf32>,
      %swap3A_60 = vector.shape_cast %swap3A_59 : vector<1x16xf32> to vector<16xf32>
      %swap3A_61 = vector.shape_cast %broadcast_in_dim3A_57 : vector<16xf32> to vector<1x16xf32>
      tpu.vector_store %arg9[%swap3A, %swap3A_58], %swap3A_61 {strides = array<i32>} : memref<80x128xf32, #tpu.memory_space<vmem>>, vector<1x16xf32>,
      %broadcast_in_dim3A_62 = arith.constant 0.000000e+00 : f32
      %broadcast_in_dim3A_63 = vector.broadcast %broadcast_in_dim3A_62 : f32 to vector<16xf32>
      %swap3A_64 = arith.index_cast %scan3A_56 : i32 to index
      %swap3A_65 = arith.constant 16 : index
      %swap3A_66 = tpu.vector_load %arg9[%swap3A_64, %swap3A_65] {strides = array<i32>} : memref<80x128xf32, #tpu.memory_space<vmem>>, vector<1x16xf32>,
      %swap3A_67 = vector.shape_cast %swap3A_66 : vector<1x16xf32> to vector<16xf32>
      %swap3A_68 = vector.shape_cast %broadcast_in_dim3A_63 : vector<16xf32> to vector<1x16xf32>
      tpu.vector_store %arg9[%swap3A_64, %swap3A_65], %swap3A_68 {strides = array<i32>} : memref<80x128xf32, #tpu.memory_space<vmem>>, vector<1x16xf32>,
      %broadcast_in_dim3A_69 = arith.constant 0.000000e+00 : f32
      %broadcast_in_dim3A_70 = vector.broadcast %broadcast_in_dim3A_69 : f32 to vector<16xf32>
      %swap3A_71 = arith.index_cast %scan3A_56 : i32 to index
      %swap3A_72 = arith.constant 32 : index
      %swap3A_73 = tpu.vector_load %arg9[%swap3A_71, %swap3A_72] {strides = array<i32>} : memref<80x128xf32, #tpu.memory_space<vmem>>, vector<1x16xf32>,
      %swap3A_74 = vector.shape_cast %swap3A_73 : vector<1x16xf32> to vector<16xf32>
      %swap3A_75 = vector.shape_cast %broadcast_in_dim3A_70 : vector<16xf32> to vector<1x16xf32>
      tpu.vector_store %arg9[%swap3A_71, %swap3A_72], %swap3A_75 {strides = array<i32>} : memref<80x128xf32, #tpu.memory_space<vmem>>, vector<1x16xf32>,
      %broadcast_in_dim3A_76 = arith.constant 0.000000e+00 : f32
      %broadcast_in_dim3A_77 = vector.broadcast %broadcast_in_dim3A_76 : f32 to vector<16xf32>
      %swap3A_78 = arith.index_cast %scan3A_56 : i32 to index
      %swap3A_79 = arith.constant 48 : index
      %swap3A_80 = tpu.vector_load %arg9[%swap3A_78, %swap3A_79] {strides = array<i32>} : memref<80x128xf32, #tpu.memory_space<vmem>>, vector<1x16xf32>,
      %swap3A_81 = vector.shape_cast %swap3A_80 : vector<1x16xf32> to vector<16xf32>
      %swap3A_82 = vector.shape_cast %broadcast_in_dim3A_77 : vector<16xf32> to vector<1x16xf32>
      tpu.vector_store %arg9[%swap3A_78, %swap3A_79], %swap3A_82 {strides = array<i32>} : memref<80x128xf32, #tpu.memory_space<vmem>>, vector<1x16xf32>,
      %broadcast_in_dim3A_83 = arith.constant 0.000000e+00 : f32
      %broadcast_in_dim3A_84 = vector.broadcast %broadcast_in_dim3A_83 : f32 to vector<16xf32>
      %swap3A_85 = arith.index_cast %scan3A_56 : i32 to index
      %swap3A_86 = arith.constant 64 : index
      %swap3A_87 = tpu.vector_load %arg9[%swap3A_85, %swap3A_86] {strides = array<i32>} : memref<80x128xf32, #tpu.memory_space<vmem>>, vector<1x16xf32>,
      %swap3A_88 = vector.shape_cast %swap3A_87 : vector<1x16xf32> to vector<16xf32>
      %swap3A_89 = vector.shape_cast %broadcast_in_dim3A_84 : vector<16xf32> to vector<1x16xf32>
      tpu.vector_store %arg9[%swap3A_85, %swap3A_86], %swap3A_89 {strides = array<i32>} : memref<80x128xf32, #tpu.memory_space<vmem>>, vector<1x16xf32>,
      %broadcast_in_dim3A_90 = arith.constant 0.000000e+00 : f32
      %broadcast_in_dim3A_91 = vector.broadcast %broadcast_in_dim3A_90 : f32 to vector<16xf32>
      %swap3A_92 = arith.index_cast %scan3A_56 : i32 to index
      %swap3A_93 = arith.constant 80 : index
      %swap3A_94 = tpu.vector_load %arg9[%swap3A_92, %swap3A_93] {strides = array<i32>} : memref<80x128xf32, #tpu.memory_space<vmem>>, vector<1x16xf32>,
      %swap3A_95 = vector.shape_cast %swap3A_94 : vector<1x16xf32> to vector<16xf32>
      %swap3A_96 = vector.shape_cast %broadcast_in_dim3A_91 : vector<16xf32> to vector<1x16xf32>
      tpu.vector_store %arg9[%swap3A_92, %swap3A_93], %swap3A_96 {strides = array<i32>} : memref<80x128xf32, #tpu.memory_space<vmem>>, vector<1x16xf32>,
      %broadcast_in_dim3A_97 = arith.constant 0.000000e+00 : f32
      %broadcast_in_dim3A_98 = vector.broadcast %broadcast_in_dim3A_97 : f32 to vector<16xf32>
      %swap3A_99 = arith.index_cast %scan3A_56 : i32 to index
      %swap3A_100 = arith.constant 96 : index
      %swap3A_101 = tpu.vector_load %arg9[%swap3A_99, %swap3A_100] {strides = array<i32>} : memref<80x128xf32, #tpu.memory_space<vmem>>, vector<1x16xf32>,
      %swap3A_102 = vector.shape_cast %swap3A_101 : vector<1x16xf32> to vector<16xf32>
      %swap3A_103 = vector.shape_cast %broadcast_in_dim3A_98 : vector<16xf32> to vector<1x16xf32>
      tpu.vector_store %arg9[%swap3A_99, %swap3A_100], %swap3A_103 {strides = array<i32>} : memref<80x128xf32, #tpu.memory_space<vmem>>, vector<1x16xf32>,
      %broadcast_in_dim3A_104 = arith.constant 0.000000e+00 : f32
      %broadcast_in_dim3A_105 = vector.broadcast %broadcast_in_dim3A_104 : f32 to vector<16xf32>
      %swap3A_106 = arith.index_cast %scan3A_56 : i32 to index
      %swap3A_107 = arith.constant 112 : index
      %swap3A_108 = tpu.vector_load %arg9[%swap3A_106, %swap3A_107] {strides = array<i32>} : memref<80x128xf32, #tpu.memory_space<vmem>>, vector<1x16xf32>,
      %swap3A_109 = vector.shape_cast %swap3A_108 : vector<1x16xf32> to vector<16xf32>
      %swap3A_110 = vector.shape_cast %broadcast_in_dim3A_105 : vector<16xf32> to vector<1x16xf32>
      tpu.vector_store %arg9[%swap3A_106, %swap3A_107], %swap3A_110 {strides = array<i32>} : memref<80x128xf32, #tpu.memory_space<vmem>>, vector<1x16xf32>,
    }
    %scan3A_4 = arith.constant 80 : i32
    %mul3A = arith.constant 640 : i32
    %mul3A_5 = arith.muli %arg1, %mul3A : i32
    %add3A = arith.constant 0 : i32
    %add3A_6 = arith.addi %mul3A_5, %add3A : i32
    "tpu.region"() ({
      %run_scoped3A = tpu.sem_alloc : memref<!tpu.dma_semaphore, #tpu.memory_space<semaphore_mem>>
      %dma_start3A = arith.constant 0 : i32
      %dma_start3A_56 = tpu.memref_slice %arg11[%add3A_6, %dma_start3A] : memref<10240x128xf32, #tpu.memory_space<vmem_shared>> -> memref<80x128xf32, #tpu.memory_space<vmem_shared>>
      %dma_start3A_57 = arith.constant 0 : i32
      %dma_start3A_58 = tpu.memref_slice %arg11[%add3A_6, %dma_start3A_57] : memref<10240x128xf32, #tpu.memory_space<vmem_shared>> -> memref<80x128xf32, #tpu.memory_space<vmem_shared>>
      tpu.enqueue_dma source(%arg9 : memref<80x128xf32, #tpu.memory_space<vmem>>) target(%dma_start3A_58 : memref<80x128xf32, #tpu.memory_space<vmem_shared>>) target_semaphore(%run_scoped3A : memref<!tpu.dma_semaphore, #tpu.memory_space<semaphore_mem>>)
      %dma_wait3A = arith.constant 0 : i32
      %dma_wait3A_59 = tpu.memref_slice %arg11[%add3A_6, %dma_wait3A] : memref<10240x128xf32, #tpu.memory_space<vmem_shared>> -> memref<80x128xf32, #tpu.memory_space<vmem_shared>>
      %dma_wait3A_60 = arith.constant 0 : i32
      %dma_wait3A_61 = tpu.memref_slice %arg11[%add3A_6, %dma_wait3A_60] : memref<10240x128xf32, #tpu.memory_space<vmem_shared>> -> memref<80x128xf32, #tpu.memory_space<vmem_shared>>
      tpu.wait_dma2 semaphore(%run_scoped3A : memref<!tpu.dma_semaphore, #tpu.memory_space<semaphore_mem>>) src(%arg9 : memref<80x128xf32, #tpu.memory_space<vmem>>) dst(%dma_wait3A_61 : memref<80x128xf32, #tpu.memory_space<vmem_shared>>)
      tpu.yield
    }) : () -> ()
    %mul3A_7 = arith.constant 640 : i32
    %mul3A_8 = arith.muli %arg1, %mul3A_7 : i32
    %add3A_9 = arith.constant 80 : i32
    %add3A_10 = arith.addi %mul3A_8, %add3A_9 : i32
    "tpu.region"() ({
      %run_scoped3A = tpu.sem_alloc : memref<!tpu.dma_semaphore, #tpu.memory_space<semaphore_mem>>
      %dma_start3A = arith.constant 0 : i32
      %dma_start3A_56 = tpu.memref_slice %arg11[%add3A_10, %dma_start3A] : memref<10240x128xf32, #tpu.memory_space<vmem_shared>> -> memref<80x128xf32, #tpu.memory_space<vmem_shared>>
      %dma_start3A_57 = arith.constant 0 : i32
      %dma_start3A_58 = tpu.memref_slice %arg11[%add3A_10, %dma_start3A_57] : memref<10240x128xf32, #tpu.memory_space<vmem_shared>> -> memref<80x128xf32, #tpu.memory_space<vmem_shared>>
      tpu.enqueue_dma source(%arg9 : memref<80x128xf32, #tpu.memory_space<vmem>>) target(%dma_start3A_58 : memref<80x128xf32, #tpu.memory_space<vmem_shared>>) target_semaphore(%run_scoped3A : memref<!tpu.dma_semaphore, #tpu.memory_space<semaphore_mem>>)
      %dma_wait3A = arith.constant 0 : i32
      %dma_wait3A_59 = tpu.memref_slice %arg11[%add3A_10, %dma_wait3A] : memref<10240x128xf32, #tpu.memory_space<vmem_shared>> -> memref<80x128xf32, #tpu.memory_space<vmem_shared>>
      %dma_wait3A_60 = arith.constant 0 : i32
      %dma_wait3A_61 = tpu.memref_slice %arg11[%add3A_10, %dma_wait3A_60] : memref<10240x128xf32, #tpu.memory_space<vmem_shared>> -> memref<80x128xf32, #tpu.memory_space<vmem_shared>>
      tpu.wait_dma2 semaphore(%run_scoped3A : memref<!tpu.dma_semaphore, #tpu.memory_space<semaphore_mem>>) src(%arg9 : memref<80x128xf32, #tpu.memory_space<vmem>>) dst(%dma_wait3A_61 : memref<80x128xf32, #tpu.memory_space<vmem_shared>>)
      tpu.yield
    }) : () -> ()
    %mul3A_11 = arith.constant 640 : i32
    %mul3A_12 = arith.muli %arg1, %mul3A_11 : i32
    %add3A_13 = arith.constant 160 : i32
    %add3A_14 = arith.addi %mul3A_12, %add3A_13 : i32
    "tpu.region"() ({
      %run_scoped3A = tpu.sem_alloc : memref<!tpu.dma_semaphore, #tpu.memory_space<semaphore_mem>>
      %dma_start3A = arith.constant 0 : i32
      %dma_start3A_56 = tpu.memref_slice %arg11[%add3A_14, %dma_start3A] : memref<10240x128xf32, #tpu.memory_space<vmem_shared>> -> memref<80x128xf32, #tpu.memory_space<vmem_shared>>
      %dma_start3A_57 = arith.constant 0 : i32
      %dma_start3A_58 = tpu.memref_slice %arg11[%add3A_14, %dma_start3A_57] : memref<10240x128xf32, #tpu.memory_space<vmem_shared>> -> memref<80x128xf32, #tpu.memory_space<vmem_shared>>
      tpu.enqueue_dma source(%arg9 : memref<80x128xf32, #tpu.memory_space<vmem>>) target(%dma_start3A_58 : memref<80x128xf32, #tpu.memory_space<vmem_shared>>) target_semaphore(%run_scoped3A : memref<!tpu.dma_semaphore, #tpu.memory_space<semaphore_mem>>)
      %dma_wait3A = arith.constant 0 : i32
      %dma_wait3A_59 = tpu.memref_slice %arg11[%add3A_14, %dma_wait3A] : memref<10240x128xf32, #tpu.memory_space<vmem_shared>> -> memref<80x128xf32, #tpu.memory_space<vmem_shared>>
      %dma_wait3A_60 = arith.constant 0 : i32
      %dma_wait3A_61 = tpu.memref_slice %arg11[%add3A_14, %dma_wait3A_60] : memref<10240x128xf32, #tpu.memory_space<vmem_shared>> -> memref<80x128xf32, #tpu.memory_space<vmem_shared>>
      tpu.wait_dma2 semaphore(%run_scoped3A : memref<!tpu.dma_semaphore, #tpu.memory_space<semaphore_mem>>) src(%arg9 : memref<80x128xf32, #tpu.memory_space<vmem>>) dst(%dma_wait3A_61 : memref<80x128xf32, #tpu.memory_space<vmem_shared>>)
      tpu.yield
    }) : () -> ()
    %mul3A_15 = arith.constant 640 : i32
    %mul3A_16 = arith.muli %arg1, %mul3A_15 : i32
    %add3A_17 = arith.constant 240 : i32
    %add3A_18 = arith.addi %mul3A_16, %add3A_17 : i32
    "tpu.region"() ({
      %run_scoped3A = tpu.sem_alloc : memref<!tpu.dma_semaphore, #tpu.memory_space<semaphore_mem>>
      %dma_start3A = arith.constant 0 : i32
      %dma_start3A_56 = tpu.memref_slice %arg11[%add3A_18, %dma_start3A] : memref<10240x128xf32, #tpu.memory_space<vmem_shared>> -> memref<80x128xf32, #tpu.memory_space<vmem_shared>>
      %dma_start3A_57 = arith.constant 0 : i32
      %dma_start3A_58 = tpu.memref_slice %arg11[%add3A_18, %dma_start3A_57] : memref<10240x128xf32, #tpu.memory_space<vmem_shared>> -> memref<80x128xf32, #tpu.memory_space<vmem_shared>>
      tpu.enqueue_dma source(%arg9 : memref<80x128xf32, #tpu.memory_space<vmem>>) target(%dma_start3A_58 : memref<80x128xf32, #tpu.memory_space<vmem_shared>>) target_semaphore(%run_scoped3A : memref<!tpu.dma_semaphore, #tpu.memory_space<semaphore_mem>>)
      %dma_wait3A = arith.constant 0 : i32
      %dma_wait3A_59 = tpu.memref_slice %arg11[%add3A_18, %dma_wait3A] : memref<10240x128xf32, #tpu.memory_space<vmem_shared>> -> memref<80x128xf32, #tpu.memory_space<vmem_shared>>
      %dma_wait3A_60 = arith.constant 0 : i32
      %dma_wait3A_61 = tpu.memref_slice %arg11[%add3A_18, %dma_wait3A_60] : memref<10240x128xf32, #tpu.memory_space<vmem_shared>> -> memref<80x128xf32, #tpu.memory_space<vmem_shared>>
      tpu.wait_dma2 semaphore(%run_scoped3A : memref<!tpu.dma_semaphore, #tpu.memory_space<semaphore_mem>>) src(%arg9 : memref<80x128xf32, #tpu.memory_space<vmem>>) dst(%dma_wait3A_61 : memref<80x128xf32, #tpu.memory_space<vmem_shared>>)
      tpu.yield
    }) : () -> ()
    %mul3A_19 = arith.constant 640 : i32
    %mul3A_20 = arith.muli %arg1, %mul3A_19 : i32
    %add3A_21 = arith.constant 320 : i32
    %add3A_22 = arith.addi %mul3A_20, %add3A_21 : i32
    "tpu.region"() ({
      %run_scoped3A = tpu.sem_alloc : memref<!tpu.dma_semaphore, #tpu.memory_space<semaphore_mem>>
      %dma_start3A = arith.constant 0 : i32
      %dma_start3A_56 = tpu.memref_slice %arg11[%add3A_22, %dma_start3A] : memref<10240x128xf32, #tpu.memory_space<vmem_shared>> -> memref<80x128xf32, #tpu.memory_space<vmem_shared>>
      %dma_start3A_57 = arith.constant 0 : i32
      %dma_start3A_58 = tpu.memref_slice %arg11[%add3A_22, %dma_start3A_57] : memref<10240x128xf32, #tpu.memory_space<vmem_shared>> -> memref<80x128xf32, #tpu.memory_space<vmem_shared>>
      tpu.enqueue_dma source(%arg9 : memref<80x128xf32, #tpu.memory_space<vmem>>) target(%dma_start3A_58 : memref<80x128xf32, #tpu.memory_space<vmem_shared>>) target_semaphore(%run_scoped3A : memref<!tpu.dma_semaphore, #tpu.memory_space<semaphore_mem>>)
      %dma_wait3A = arith.constant 0 : i32
      %dma_wait3A_59 = tpu.memref_slice %arg11[%add3A_22, %dma_wait3A] : memref<10240x128xf32, #tpu.memory_space<vmem_shared>> -> memref<80x128xf32, #tpu.memory_space<vmem_shared>>
      %dma_wait3A_60 = arith.constant 0 : i32
      %dma_wait3A_61 = tpu.memref_slice %arg11[%add3A_22, %dma_wait3A_60] : memref<10240x128xf32, #tpu.memory_space<vmem_shared>> -> memref<80x128xf32, #tpu.memory_space<vmem_shared>>
      tpu.wait_dma2 semaphore(%run_scoped3A : memref<!tpu.dma_semaphore, #tpu.memory_space<semaphore_mem>>) src(%arg9 : memref<80x128xf32, #tpu.memory_space<vmem>>) dst(%dma_wait3A_61 : memref<80x128xf32, #tpu.memory_space<vmem_shared>>)
      tpu.yield
    }) : () -> ()
    %mul3A_23 = arith.constant 640 : i32
    %mul3A_24 = arith.muli %arg1, %mul3A_23 : i32
    %add3A_25 = arith.constant 400 : i32
    %add3A_26 = arith.addi %mul3A_24, %add3A_25 : i32
    "tpu.region"() ({
      %run_scoped3A = tpu.sem_alloc : memref<!tpu.dma_semaphore, #tpu.memory_space<semaphore_mem>>
      %dma_start3A = arith.constant 0 : i32
      %dma_start3A_56 = tpu.memref_slice %arg11[%add3A_26, %dma_start3A] : memref<10240x128xf32, #tpu.memory_space<vmem_shared>> -> memref<80x128xf32, #tpu.memory_space<vmem_shared>>
      %dma_start3A_57 = arith.constant 0 : i32
      %dma_start3A_58 = tpu.memref_slice %arg11[%add3A_26, %dma_start3A_57] : memref<10240x128xf32, #tpu.memory_space<vmem_shared>> -> memref<80x128xf32, #tpu.memory_space<vmem_shared>>
      tpu.enqueue_dma source(%arg9 : memref<80x128xf32, #tpu.memory_space<vmem>>) target(%dma_start3A_58 : memref<80x128xf32, #tpu.memory_space<vmem_shared>>) target_semaphore(%run_scoped3A : memref<!tpu.dma_semaphore, #tpu.memory_space<semaphore_mem>>)
      %dma_wait3A = arith.constant 0 : i32
      %dma_wait3A_59 = tpu.memref_slice %arg11[%add3A_26, %dma_wait3A] : memref<10240x128xf32, #tpu.memory_space<vmem_shared>> -> memref<80x128xf32, #tpu.memory_space<vmem_shared>>
      %dma_wait3A_60 = arith.constant 0 : i32
      %dma_wait3A_61 = tpu.memref_slice %arg11[%add3A_26, %dma_wait3A_60] : memref<10240x128xf32, #tpu.memory_space<vmem_shared>> -> memref<80x128xf32, #tpu.memory_space<vmem_shared>>
      tpu.wait_dma2 semaphore(%run_scoped3A : memref<!tpu.dma_semaphore, #tpu.memory_space<semaphore_mem>>) src(%arg9 : memref<80x128xf32, #tpu.memory_space<vmem>>) dst(%dma_wait3A_61 : memref<80x128xf32, #tpu.memory_space<vmem_shared>>)
      tpu.yield
    }) : () -> ()
    %mul3A_27 = arith.constant 640 : i32
    %mul3A_28 = arith.muli %arg1, %mul3A_27 : i32
    %add3A_29 = arith.constant 480 : i32
    %add3A_30 = arith.addi %mul3A_28, %add3A_29 : i32
    "tpu.region"() ({
      %run_scoped3A = tpu.sem_alloc : memref<!tpu.dma_semaphore, #tpu.memory_space<semaphore_mem>>
      %dma_start3A = arith.constant 0 : i32
      %dma_start3A_56 = tpu.memref_slice %arg11[%add3A_30, %dma_start3A] : memref<10240x128xf32, #tpu.memory_space<vmem_shared>> -> memref<80x128xf32, #tpu.memory_space<vmem_shared>>
      %dma_start3A_57 = arith.constant 0 : i32
      %dma_start3A_58 = tpu.memref_slice %arg11[%add3A_30, %dma_start3A_57] : memref<10240x128xf32, #tpu.memory_space<vmem_shared>> -> memref<80x128xf32, #tpu.memory_space<vmem_shared>>
      tpu.enqueue_dma source(%arg9 : memref<80x128xf32, #tpu.memory_space<vmem>>) target(%dma_start3A_58 : memref<80x128xf32, #tpu.memory_space<vmem_shared>>) target_semaphore(%run_scoped3A : memref<!tpu.dma_semaphore, #tpu.memory_space<semaphore_mem>>)
      %dma_wait3A = arith.constant 0 : i32
      %dma_wait3A_59 = tpu.memref_slice %arg11[%add3A_30, %dma_wait3A] : memref<10240x128xf32, #tpu.memory_space<vmem_shared>> -> memref<80x128xf32, #tpu.memory_space<vmem_shared>>
      %dma_wait3A_60 = arith.constant 0 : i32
      %dma_wait3A_61 = tpu.memref_slice %arg11[%add3A_30, %dma_wait3A_60] : memref<10240x128xf32, #tpu.memory_space<vmem_shared>> -> memref<80x128xf32, #tpu.memory_space<vmem_shared>>
      tpu.wait_dma2 semaphore(%run_scoped3A : memref<!tpu.dma_semaphore, #tpu.memory_space<semaphore_mem>>) src(%arg9 : memref<80x128xf32, #tpu.memory_space<vmem>>) dst(%dma_wait3A_61 : memref<80x128xf32, #tpu.memory_space<vmem_shared>>)
      tpu.yield
    }) : () -> ()
    %mul3A_31 = arith.constant 640 : i32
    %mul3A_32 = arith.muli %arg1, %mul3A_31 : i32
    %add3A_33 = arith.constant 560 : i32
    %add3A_34 = arith.addi %mul3A_32, %add3A_33 : i32
    "tpu.region"() ({
      %run_scoped3A = tpu.sem_alloc : memref<!tpu.dma_semaphore, #tpu.memory_space<semaphore_mem>>
      %dma_start3A = arith.constant 0 : i32
      %dma_start3A_56 = tpu.memref_slice %arg11[%add3A_34, %dma_start3A] : memref<10240x128xf32, #tpu.memory_space<vmem_shared>> -> memref<80x128xf32, #tpu.memory_space<vmem_shared>>
      %dma_start3A_57 = arith.constant 0 : i32
      %dma_start3A_58 = tpu.memref_slice %arg11[%add3A_34, %dma_start3A_57] : memref<10240x128xf32, #tpu.memory_space<vmem_shared>> -> memref<80x128xf32, #tpu.memory_space<vmem_shared>>
      tpu.enqueue_dma source(%arg9 : memref<80x128xf32, #tpu.memory_space<vmem>>) target(%dma_start3A_58 : memref<80x128xf32, #tpu.memory_space<vmem_shared>>) target_semaphore(%run_scoped3A : memref<!tpu.dma_semaphore, #tpu.memory_space<semaphore_mem>>)
      %dma_wait3A = arith.constant 0 : i32
      %dma_wait3A_59 = tpu.memref_slice %arg11[%add3A_34, %dma_wait3A] : memref<10240x128xf32, #tpu.memory_space<vmem_shared>> -> memref<80x128xf32, #tpu.memory_space<vmem_shared>>
      %dma_wait3A_60 = arith.constant 0 : i32
      %dma_wait3A_61 = tpu.memref_slice %arg11[%add3A_34, %dma_wait3A_60] : memref<10240x128xf32, #tpu.memory_space<vmem_shared>> -> memref<80x128xf32, #tpu.memory_space<vmem_shared>>
      tpu.wait_dma2 semaphore(%run_scoped3A : memref<!tpu.dma_semaphore, #tpu.memory_space<semaphore_mem>>) src(%arg9 : memref<80x128xf32, #tpu.memory_space<vmem>>) dst(%dma_wait3A_61 : memref<80x128xf32, #tpu.memory_space<vmem_shared>>)
      tpu.yield
    }) : () -> ()
    %barrier3A = arith.constant 0 : index
    tpu.barrier barrier_id(%barrier3A)
    %mul3A_35 = arith.constant 16 : i32
    %mul3A_36 = arith.muli %arg0, %mul3A_35 : i32
    %add3A_37 = arith.addi %mul3A_36, %arg1 : i32
    %mul3A_38 = arith.constant 10000 : i32
    %mul3A_39 = arith.muli %add3A_37, %mul3A_38 : i32
    %scan3A_40 = arith.constant 0 : i32
    %scan3A_41 = arith.constant 0 : i32
    %scan3A_42 = arith.constant 125 : i32
    %scan3A_43 = arith.addi %scan3A_41, %scan3A_42 : i32
    %scan3A_44 = arith.constant 1 : i32
    scf.for %scan3A_56 = %scan3A_41 to %scan3A_43 step %scan3A_44  : i32 {
      %mul3A_57 = arith.constant 80 : i32
      %mul3A_58 = arith.muli %scan3A_56, %mul3A_57 : i32
      %add3A_59 = arith.addi %mul3A_39, %mul3A_58 : i32
      "tpu.region"() ({
        %run_scoped3A = tpu.sem_alloc : memref<!tpu.dma_semaphore, #tpu.memory_space<semaphore_mem>>
        %dma_start3A_64 = tpu.memref_slice %arg2[%add3A_59] : memref<320000xi32, #tpu.memory_space<hbm>> -> memref<80xi32, #tpu.memory_space<hbm>>
        %dma_start3A_65 = tpu.memref_slice %arg2[%add3A_59] : memref<320000xi32, #tpu.memory_space<hbm>> -> memref<80xi32, #tpu.memory_space<hbm>>
        tpu.enqueue_dma source(%dma_start3A_65 : memref<80xi32, #tpu.memory_space<hbm>>) target(%arg7 : memref<80xi32, #tpu.memory_space<vmem>>) target_semaphore(%run_scoped3A : memref<!tpu.dma_semaphore, #tpu.memory_space<semaphore_mem>>)
        %dma_wait3A_66 = tpu.memref_slice %arg2[%add3A_59] : memref<320000xi32, #tpu.memory_space<hbm>> -> memref<80xi32, #tpu.memory_space<hbm>>
        %dma_wait3A_67 = tpu.memref_slice %arg2[%add3A_59] : memref<320000xi32, #tpu.memory_space<hbm>> -> memref<80xi32, #tpu.memory_space<hbm>>
        tpu.wait_dma2 semaphore(%run_scoped3A : memref<!tpu.dma_semaphore, #tpu.memory_space<semaphore_mem>>) src(%dma_wait3A_67 : memref<80xi32, #tpu.memory_space<hbm>>) dst(%arg7 : memref<80xi32, #tpu.memory_space<vmem>>)
        tpu.yield
      }) : () -> ()
      "tpu.region"() ({
        %run_scoped3A = tpu.sem_alloc : memref<!tpu.dma_semaphore, #tpu.memory_space<semaphore_mem>>
        %dma_start3A_64 = tpu.memref_slice %arg3[%add3A_59] : memref<320000xi32, #tpu.memory_space<hbm>> -> memref<80xi32, #tpu.memory_space<hbm>>
        %dma_start3A_65 = tpu.memref_slice %arg3[%add3A_59] : memref<320000xi32, #tpu.memory_space<hbm>> -> memref<80xi32, #tpu.memory_space<hbm>>
        tpu.enqueue_dma source(%dma_start3A_65 : memref<80xi32, #tpu.memory_space<hbm>>) target(%arg8 : memref<80xi32, #tpu.memory_space<vmem>>) target_semaphore(%run_scoped3A : memref<!tpu.dma_semaphore, #tpu.memory_space<semaphore_mem>>)
        %dma_wait3A_66 = tpu.memref_slice %arg3[%add3A_59] : memref<320000xi32, #tpu.memory_space<hbm>> -> memref<80xi32, #tpu.memory_space<hbm>>
        %dma_wait3A_67 = tpu.memref_slice %arg3[%add3A_59] : memref<320000xi32, #tpu.memory_space<hbm>> -> memref<80xi32, #tpu.memory_space<hbm>>
        tpu.wait_dma2 semaphore(%run_scoped3A : memref<!tpu.dma_semaphore, #tpu.memory_space<semaphore_mem>>) src(%dma_wait3A_67 : memref<80xi32, #tpu.memory_space<hbm>>) dst(%arg8 : memref<80xi32, #tpu.memory_space<vmem>>)
        tpu.yield
      }) : () -> ()
      %dma_start3A = arith.constant 0 : i32
      %dma_start3A_60 = arith.constant 0 : i32
      %dma_start3A_61 = tpu.memref_slice %arg4[%dma_start3A, %dma_start3A_60] : memref<10000x128xf32, #tpu.memory_space<hbm>> -> memref<10000x128xf32, #tpu.memory_space<hbm>>
      tpu.enqueue_indirect_dma source(%dma_start3A_61 : memref<10000x128xf32, #tpu.memory_space<hbm>>) target(%arg9 : memref<80x128xf32, #tpu.memory_space<vmem>>) offsets(%arg7 : memref<80xi32, #tpu.memory_space<vmem>>) semaphore(%arg10 : memref<!tpu.dma_semaphore, #tpu.memory_space<semaphore_mem>>)
      %dma_wait3A = arith.constant 0 : i32
      %dma_wait3A_62 = arith.constant 0 : i32
      %dma_wait3A_63 = tpu.memref_slice %arg4[%dma_wait3A, %dma_wait3A_62] : memref<10000x128xf32, #tpu.memory_space<hbm>> -> memref<10000x128xf32, #tpu.memory_space<hbm>>
      tpu.wait_indirect_dma semaphore(%arg10 : memref<!tpu.dma_semaphore, #tpu.memory_space<semaphore_mem>>) src(%dma_wait3A_63 : memref<10000x128xf32, #tpu.memory_space<hbm>>) dst(%arg9 : memref<80x128xf32, #tpu.memory_space<vmem>>)
      "tpu.region"() ({
        %run_scoped3A = tpu.sem_alloc : memref<!tpu.dma_semaphore, #tpu.memory_space<semaphore_mem>>
        %dma_start3A_64 = arith.constant 0 : i32
        %dma_start3A_65 = arith.constant 0 : i32
        %dma_start3A_66 = tpu.memref_slice %arg11[%dma_start3A_64, %dma_start3A_65] : memref<10240x128xf32, #tpu.memory_space<vmem_shared>> -> memref<10240x128xf32, #tpu.memory_space<vmem_shared>>
        tpu.enqueue_indirect_dma source(%arg9 : memref<80x128xf32, #tpu.memory_space<vmem>>) target(%dma_start3A_66 : memref<10240x128xf32, #tpu.memory_space<vmem_shared>>) offsets(%arg8 : memref<80xi32, #tpu.memory_space<vmem>>) semaphore(%run_scoped3A : memref<!tpu.dma_semaphore, #tpu.memory_space<semaphore_mem>>) {add = true}
        %dma_wait3A_67 = arith.constant 0 : i32
        %dma_wait3A_68 = arith.constant 0 : i32
        %dma_wait3A_69 = tpu.memref_slice %arg11[%dma_wait3A_67, %dma_wait3A_68] : memref<10240x128xf32, #tpu.memory_space<vmem_shared>> -> memref<10240x128xf32, #tpu.memory_space<vmem_shared>>
        tpu.wait_indirect_dma semaphore(%run_scoped3A : memref<!tpu.dma_semaphore, #tpu.memory_space<semaphore_mem>>) src(%arg9 : memref<80x128xf32, #tpu.memory_space<vmem>>) dst(%dma_wait3A_69 : memref<10240x128xf32, #tpu.memory_space<vmem_shared>>)
        tpu.yield
      }) : () -> ()
    }
    %scan3A_45 = arith.constant 125 : i32
    %barrier3A_46 = arith.constant 0 : index
    tpu.barrier barrier_id(%barrier3A_46)
    %mul3A_47 = arith.constant 640 : i32
    %mul3A_48 = arith.muli %arg1, %mul3A_47 : i32
    %eq3A = arith.constant 0 : i32
    %eq3A_49 = arith.cmpi eq, %arg0, %eq3A : i32
    %convert_element_type3A = arith.extui %eq3A_49 : i1 to i32
    %cond3A = arith.constant 0 : i32
    %cond3A_50 = arith.cmpi ne, %convert_element_type3A, %cond3A : i32
    scf.if %cond3A_50 {
      "tpu.region"() ({
        %run_scoped3A = tpu.sem_alloc : memref<!tpu.dma_semaphore, #tpu.memory_space<semaphore_mem>>
        %dma_start3A = arith.constant 0 : i32
        %dma_start3A_56 = tpu.memref_slice %arg5[%mul3A_48, %dma_start3A] : memref<10240x128xf32, #tpu.memory_space<hbm>> -> memref<640x128xf32, #tpu.memory_space<hbm>>
        %dma_start3A_57 = arith.constant 0 : i32
        %dma_start3A_58 = tpu.memref_slice %arg11[%mul3A_48, %dma_start3A_57] : memref<10240x128xf32, #tpu.memory_space<vmem_shared>> -> memref<640x128xf32, #tpu.memory_space<vmem_shared>>
        tpu.enqueue_dma source(%dma_start3A_58 : memref<640x128xf32, #tpu.memory_space<vmem_shared>>) target(%dma_start3A_56 : memref<640x128xf32, #tpu.memory_space<hbm>>) target_semaphore(%run_scoped3A : memref<!tpu.dma_semaphore, #tpu.memory_space<semaphore_mem>>)
        %dma_wait3A = arith.constant 0 : i32
        %dma_wait3A_59 = tpu.memref_slice %arg5[%mul3A_48, %dma_wait3A] : memref<10240x128xf32, #tpu.memory_space<hbm>> -> memref<640x128xf32, #tpu.memory_space<hbm>>
        %dma_wait3A_60 = arith.constant 0 : i32
        %dma_wait3A_61 = tpu.memref_slice %arg11[%mul3A_48, %dma_wait3A_60] : memref<10240x128xf32, #tpu.memory_space<vmem_shared>> -> memref<640x128xf32, #tpu.memory_space<vmem_shared>>
        tpu.wait_dma2 semaphore(%run_scoped3A : memref<!tpu.dma_semaphore, #tpu.memory_space<semaphore_mem>>) src(%dma_wait3A_61 : memref<640x128xf32, #tpu.memory_space<vmem_shared>>) dst(%dma_wait3A_59 : memref<640x128xf32, #tpu.memory_space<hbm>>)
        tpu.yield
      }) : () -> ()
    } else {
    }
    %eq3A_51 = arith.constant 1 : i32
    %eq3A_52 = arith.cmpi eq, %arg0, %eq3A_51 : i32
    %convert_element_type3A_53 = arith.extui %eq3A_52 : i1 to i32
    %cond3A_54 = arith.constant 0 : i32
    %cond3A_55 = arith.cmpi ne, %convert_element_type3A_53, %cond3A_54 : i32
    scf.if %cond3A_55 {
      "tpu.region"() ({
        %run_scoped3A = tpu.sem_alloc : memref<!tpu.dma_semaphore, #tpu.memory_space<semaphore_mem>>
        %dma_start3A = arith.constant 0 : i32
        %dma_start3A_56 = tpu.memref_slice %arg6[%mul3A_48, %dma_start3A] : memref<10240x128xf32, #tpu.memory_space<hbm>> -> memref<640x128xf32, #tpu.memory_space<hbm>>
        %dma_start3A_57 = arith.constant 0 : i32
        %dma_start3A_58 = tpu.memref_slice %arg11[%mul3A_48, %dma_start3A_57] : memref<10240x128xf32, #tpu.memory_space<vmem_shared>> -> memref<640x128xf32, #tpu.memory_space<vmem_shared>>
        tpu.enqueue_dma source(%dma_start3A_58 : memref<640x128xf32, #tpu.memory_space<vmem_shared>>) target(%dma_start3A_56 : memref<640x128xf32, #tpu.memory_space<hbm>>) target_semaphore(%run_scoped3A : memref<!tpu.dma_semaphore, #tpu.memory_space<semaphore_mem>>)
        %dma_wait3A = arith.constant 0 : i32
        %dma_wait3A_59 = tpu.memref_slice %arg6[%mul3A_48, %dma_wait3A] : memref<10240x128xf32, #tpu.memory_space<hbm>> -> memref<640x128xf32, #tpu.memory_space<hbm>>
        %dma_wait3A_60 = arith.constant 0 : i32
        %dma_wait3A_61 = tpu.memref_slice %arg11[%mul3A_48, %dma_wait3A_60] : memref<10240x128xf32, #tpu.memory_space<vmem_shared>> -> memref<640x128xf32, #tpu.memory_space<vmem_shared>>
        tpu.wait_dma2 semaphore(%run_scoped3A : memref<!tpu.dma_semaphore, #tpu.memory_space<semaphore_mem>>) src(%dma_wait3A_61 : memref<640x128xf32, #tpu.memory_space<vmem_shared>>) dst(%dma_wait3A_59 : memref<640x128xf32, #tpu.memory_space<hbm>>)
        tpu.yield
      }) : () -> ()
    } else {
    }
    return
  }
}

module attributes {stable_mosaic.version = 14 : i64} {
  func.func @_scale0_body(%arg0: i32, %arg1: memref<80x128xf32, #tpu.memory_space<vmem>>, %arg2: memref<80x32xf32, #tpu.memory_space<vmem>>, %arg3: memref<80x128xf32, #tpu.memory_space<vmem>>) attributes {dimension_semantics = [#tpu.dimension_semantics<arbitrary>], iteration_bounds = array<i64: 125>, scalar_prefetch = 0 : i64, scratch_operands = 0 : i64, tpu.core_type = #tpu.core_type<tc>, window_params = [{transform_indices = @transform_0, window_bounds = array<i64: 80, 128>}, {transform_indices = @transform_1, window_bounds = array<i64: 80, 32>}, {transform_indices = @transform_2, window_bounds = array<i64: 80, 128>}]} {
    %get3A = arith.constant 0 : index
    %get3A_0 = arith.constant 0 : index
    %get3A_1 = vector.load %arg2[%get3A, %get3A_0] : memref<80x32xf32, #tpu.memory_space<vmem>>, vector<80x32xf32>
    %reduce_sum3A = arith.constant dense<0.000000e+00> : vector<80xf32>
    %reduce_sum3A_2 = vector.multi_reduction <add>, %get3A_1, %reduce_sum3A [1] : vector<80x32xf32> to vector<80xf32>
    %broadcast_in_dim3A = vector.shape_cast %reduce_sum3A_2 : vector<80xf32> to vector<80x1xf32>
    %add3A = arith.constant 1.000000e+00 : f32
    %add3A_3 = vector.broadcast %add3A : f32 to vector<80x1xf32>
    %add3A_4 = arith.addf %broadcast_in_dim3A, %add3A_3 : vector<80x1xf32>
    %get3A_5 = arith.constant 0 : index
    %get3A_6 = arith.constant 0 : index
    %get3A_7 = vector.load %arg1[%get3A_5, %get3A_6] : memref<80x128xf32, #tpu.memory_space<vmem>>, vector<80x128xf32>
    %rsqrt3A = math.rsqrt %add3A_4 : vector<80x1xf32>
    %mul3A = vector.broadcast %rsqrt3A : vector<80x1xf32> to vector<80x128xf32>
    %mul3A_8 = arith.mulf %get3A_7, %mul3A : vector<80x128xf32>
    %swap3A = arith.constant 0 : index
    %swap3A_9 = arith.constant 0 : index
    %swap3A_10 = vector.load %arg3[%swap3A, %swap3A_9] : memref<80x128xf32, #tpu.memory_space<vmem>>, vector<80x128xf32>
    tpu.vector_store %arg3[%swap3A, %swap3A_9], %mul3A_8 {strides = array<i32>} : memref<80x128xf32, #tpu.memory_space<vmem>>, vector<80x128xf32>,
    return
  }
  func.func @transform_0(%arg0: i32) -> (i32, i32) {
    %c0_i32 = arith.constant 0 : i32
    %c0_i32_0 = arith.constant 0 : i32
    return %arg0, %c0_i32 : i32, i32
  }
  func.func @transform_1(%arg0: i32) -> (i32, i32) {
    %c0_i32 = arith.constant 0 : i32
    %c0_i32_0 = arith.constant 0 : i32
    return %arg0, %c0_i32 : i32, i32
  }
  func.func @transform_2(%arg0: i32) -> (i32, i32) {
    %c0_i32 = arith.constant 0 : i32
    %c0_i32_0 = arith.constant 0 : i32
    return %arg0, %c0_i32 : i32, i32
  }
}

module attributes {stable_mosaic.version = 14 : i64} {
  func.func @_combine_body(%arg0: i32, %arg1: memref<80x128xf32, #tpu.memory_space<vmem>>, %arg2: memref<80x128xf32, #tpu.memory_space<vmem>>, %arg3: memref<80x128xf32, #tpu.memory_space<vmem>>, %arg4: memref<80x32xf32, #tpu.memory_space<vmem>>, %arg5: memref<80x128xf32, #tpu.memory_space<vmem>>) attributes {dimension_semantics = [#tpu.dimension_semantics<arbitrary>], iteration_bounds = array<i64: 125>, scalar_prefetch = 0 : i64, scratch_operands = 0 : i64, tpu.core_type = #tpu.core_type<tc>, window_params = [{transform_indices = @transform_0, window_bounds = array<i64: 80, 128>}, {transform_indices = @transform_1, window_bounds = array<i64: 80, 128>}, {transform_indices = @transform_2, window_bounds = array<i64: 80, 128>}, {transform_indices = @transform_3, window_bounds = array<i64: 80, 32>}, {transform_indices = @transform_4, window_bounds = array<i64: 80, 128>}]} {
    %get3A = arith.constant 0 : index
    %get3A_0 = arith.constant 0 : index
    %get3A_1 = vector.load %arg4[%get3A, %get3A_0] : memref<80x32xf32, #tpu.memory_space<vmem>>, vector<80x32xf32>
    %reduce_sum3A = arith.constant dense<0.000000e+00> : vector<80xf32>
    %reduce_sum3A_2 = vector.multi_reduction <add>, %get3A_1, %reduce_sum3A [1] : vector<80x32xf32> to vector<80xf32>
    %broadcast_in_dim3A = vector.shape_cast %reduce_sum3A_2 : vector<80xf32> to vector<80x1xf32>
    %add3A = arith.constant 1.000000e+00 : f32
    %add3A_3 = vector.broadcast %add3A : f32 to vector<80x1xf32>
    %add3A_4 = arith.addf %broadcast_in_dim3A, %add3A_3 : vector<80x1xf32>
    %get3A_5 = arith.constant 0 : index
    %get3A_6 = arith.constant 0 : index
    %get3A_7 = vector.load %arg1[%get3A_5, %get3A_6] : memref<80x128xf32, #tpu.memory_space<vmem>>, vector<80x128xf32>
    %get3A_8 = arith.constant 0 : index
    %get3A_9 = arith.constant 0 : index
    %get3A_10 = vector.load %arg2[%get3A_8, %get3A_9] : memref<80x128xf32, #tpu.memory_space<vmem>>, vector<80x128xf32>
    %add3A_11 = arith.addf %get3A_7, %get3A_10 : vector<80x128xf32>
    %get3A_12 = arith.constant 0 : index
    %get3A_13 = arith.constant 0 : index
    %get3A_14 = vector.load %arg3[%get3A_12, %get3A_13] : memref<80x128xf32, #tpu.memory_space<vmem>>, vector<80x128xf32>
    %add3A_15 = arith.addf %add3A_11, %get3A_14 : vector<80x128xf32>
    %div3A = vector.broadcast %add3A_4 : vector<80x1xf32> to vector<80x128xf32>
    %div3A_16 = arith.divf %add3A_15, %div3A : vector<80x128xf32>
    %swap3A = arith.constant 0 : index
    %swap3A_17 = arith.constant 0 : index
    %swap3A_18 = vector.load %arg5[%swap3A, %swap3A_17] : memref<80x128xf32, #tpu.memory_space<vmem>>, vector<80x128xf32>
    tpu.vector_store %arg5[%swap3A, %swap3A_17], %div3A_16 {strides = array<i32>} : memref<80x128xf32, #tpu.memory_space<vmem>>, vector<80x128xf32>,
    return
  }
  func.func @transform_0(%arg0: i32) -> (i32, i32) {
    %c0_i32 = arith.constant 0 : i32
    %c0_i32_0 = arith.constant 0 : i32
    return %arg0, %c0_i32 : i32, i32
  }
  func.func @transform_1(%arg0: i32) -> (i32, i32) {
    %c0_i32 = arith.constant 0 : i32
    %c0_i32_0 = arith.constant 0 : i32
    return %arg0, %c0_i32 : i32, i32
  }
  func.func @transform_2(%arg0: i32) -> (i32, i32) {
    %c0_i32 = arith.constant 0 : i32
    %c0_i32_0 = arith.constant 0 : i32
    return %arg0, %c0_i32 : i32, i32
  }
  func.func @transform_3(%arg0: i32) -> (i32, i32) {
    %c0_i32 = arith.constant 0 : i32
    %c0_i32_0 = arith.constant 0 : i32
    return %arg0, %c0_i32 : i32, i32
  }
  func.func @transform_4(%arg0: i32) -> (i32, i32) {
    %c0_i32 = arith.constant 0 : i32
    %c0_i32_0 = arith.constant 0 : i32
    return %arg0, %c0_i32 : i32, i32
  }
}

module attributes {stable_mosaic.version = 14 : i64} {
  func.func @_final_body(%arg0: i32, %arg1: memref<80x128xf32, #tpu.memory_space<vmem>>, %arg2: memref<80x128xf32, #tpu.memory_space<vmem>>, %arg3: memref<80x128xf32, #tpu.memory_space<vmem>>, %arg4: memref<80x32xf32, #tpu.memory_space<vmem>>, %arg5: memref<128x128xf32, #tpu.memory_space<vmem>>, %arg6: memref<1x128xf32, #tpu.memory_space<vmem>>, %arg7: memref<80x128xf32, #tpu.memory_space<vmem>>) attributes {dimension_semantics = [#tpu.dimension_semantics<arbitrary>], iteration_bounds = array<i64: 125>, scalar_prefetch = 0 : i64, scratch_operands = 0 : i64, tpu.core_type = #tpu.core_type<tc>, window_params = [{transform_indices = @transform_0, window_bounds = array<i64: 80, 128>}, {transform_indices = @transform_1, window_bounds = array<i64: 80, 128>}, {transform_indices = @transform_2, window_bounds = array<i64: 80, 128>}, {transform_indices = @transform_3, window_bounds = array<i64: 80, 32>}, {pipeline_mode = #tpu.pipeline_mode<synchronous>, transform_indices = @transform_4, window_bounds = array<i64: 128, 128>}, {pipeline_mode = #tpu.pipeline_mode<synchronous>, transform_indices = @transform_5, window_bounds = array<i64: 1, 128>}, {transform_indices = @transform_6, window_bounds = array<i64: 80, 128>}]} {
    %get3A = arith.constant 0 : index
    %get3A_0 = arith.constant 0 : index
    %get3A_1 = vector.load %arg4[%get3A, %get3A_0] : memref<80x32xf32, #tpu.memory_space<vmem>>, vector<80x32xf32>
    %reduce_sum3A = arith.constant dense<0.000000e+00> : vector<80xf32>
    %reduce_sum3A_2 = vector.multi_reduction <add>, %get3A_1, %reduce_sum3A [1] : vector<80x32xf32> to vector<80xf32>
    %broadcast_in_dim3A = vector.shape_cast %reduce_sum3A_2 : vector<80xf32> to vector<80x1xf32>
    %add3A = arith.constant 1.000000e+00 : f32
    %add3A_3 = vector.broadcast %add3A : f32 to vector<80x1xf32>
    %add3A_4 = arith.addf %broadcast_in_dim3A, %add3A_3 : vector<80x1xf32>
    %get3A_5 = arith.constant 0 : index
    %get3A_6 = arith.constant 0 : index
    %get3A_7 = vector.load %arg1[%get3A_5, %get3A_6] : memref<80x128xf32, #tpu.memory_space<vmem>>, vector<80x128xf32>
    %get3A_8 = arith.constant 0 : index
    %get3A_9 = arith.constant 0 : index
    %get3A_10 = vector.load %arg2[%get3A_8, %get3A_9] : memref<80x128xf32, #tpu.memory_space<vmem>>, vector<80x128xf32>
    %add3A_11 = arith.addf %get3A_7, %get3A_10 : vector<80x128xf32>
    %get3A_12 = arith.constant 0 : index
    %get3A_13 = arith.constant 0 : index
    %get3A_14 = vector.load %arg3[%get3A_12, %get3A_13] : memref<80x128xf32, #tpu.memory_space<vmem>>, vector<80x128xf32>
    %add3A_15 = arith.addf %add3A_11, %get3A_14 : vector<80x128xf32>
    %rsqrt3A = math.rsqrt %add3A_4 : vector<80x1xf32>
    %mul3A = vector.broadcast %rsqrt3A : vector<80x1xf32> to vector<80x128xf32>
    %mul3A_16 = arith.mulf %add3A_15, %mul3A : vector<80x128xf32>
    %get3A_17 = arith.constant 0 : index
    %get3A_18 = arith.constant 0 : index
    %get3A_19 = vector.load %arg5[%get3A_17, %get3A_18] : memref<128x128xf32, #tpu.memory_space<vmem>>, vector<128x128xf32>
    %dot_general3A = arith.constant dense<0.000000e+00> : vector<80x128xf32>
    %dot_general3A_20 = tpu.matmul %mul3A_16, %get3A_19, %dot_general3A {dimension_numbers = #tpu.dot_dimension_numbers<[1], [0], [0], [1], [0, 0, 1, 1], [], []>, transpose_lhs_hint = false} : vector<80x128xf32>, vector<128x128xf32>, vector<80x128xf32> -> vector<80x128xf32>
    %get3A_21 = arith.constant 0 : index
    %get3A_22 = arith.constant 0 : index
    %get3A_23 = vector.load %arg6[%get3A_21, %get3A_22] : memref<1x128xf32, #tpu.memory_space<vmem>>, vector<1x128xf32>
    %add3A_24 = vector.broadcast %get3A_23 : vector<1x128xf32> to vector<80x128xf32>
    %add3A_25 = arith.addf %dot_general3A_20, %add3A_24 : vector<80x128xf32>
    %reduce_max3A = arith.constant dense<0xFF800000> : vector<80xf32>
    %reduce_max3A_26 = vector.multi_reduction <maximumf>, %add3A_25, %reduce_max3A [1] : vector<80x128xf32> to vector<80xf32>
    %broadcast_in_dim3A_27 = vector.shape_cast %reduce_max3A_26 : vector<80xf32> to vector<80x1xf32>
    %sub3A = vector.broadcast %broadcast_in_dim3A_27 : vector<80x1xf32> to vector<80x128xf32>
    %sub3A_28 = arith.subf %add3A_25, %sub3A : vector<80x128xf32>
    %exp3A = math.exp %sub3A_28 : vector<80x128xf32>
    %reduce_sum3A_29 = arith.constant dense<0.000000e+00> : vector<80xf32>
    %reduce_sum3A_30 = vector.multi_reduction <add>, %exp3A, %reduce_sum3A_29 [1] : vector<80x128xf32> to vector<80xf32>
    %broadcast_in_dim3A_31 = vector.shape_cast %reduce_sum3A_30 : vector<80xf32> to vector<80x1xf32>
    %log3A = math.log %broadcast_in_dim3A_31 : vector<80x1xf32>
    %add3A_32 = arith.addf %log3A, %broadcast_in_dim3A_27 : vector<80x1xf32>
    %sub3A_33 = vector.broadcast %add3A_32 : vector<80x1xf32> to vector<80x128xf32>
    %sub3A_34 = arith.subf %add3A_25, %sub3A_33 : vector<80x128xf32>
    %swap3A = arith.constant 0 : index
    %swap3A_35 = arith.constant 0 : index
    %swap3A_36 = vector.load %arg7[%swap3A, %swap3A_35] : memref<80x128xf32, #tpu.memory_space<vmem>>, vector<80x128xf32>
    tpu.vector_store %arg7[%swap3A, %swap3A_35], %sub3A_34 {strides = array<i32>} : memref<80x128xf32, #tpu.memory_space<vmem>>, vector<80x128xf32>,
    return
  }
  func.func @transform_0(%arg0: i32) -> (i32, i32) {
    %c0_i32 = arith.constant 0 : i32
    %c0_i32_0 = arith.constant 0 : i32
    return %arg0, %c0_i32 : i32, i32
  }
  func.func @transform_1(%arg0: i32) -> (i32, i32) {
    %c0_i32 = arith.constant 0 : i32
    %c0_i32_0 = arith.constant 0 : i32
    return %arg0, %c0_i32 : i32, i32
  }
  func.func @transform_2(%arg0: i32) -> (i32, i32) {
    %c0_i32 = arith.constant 0 : i32
    %c0_i32_0 = arith.constant 0 : i32
    return %arg0, %c0_i32 : i32, i32
  }
  func.func @transform_3(%arg0: i32) -> (i32, i32) {
    %c0_i32 = arith.constant 0 : i32
    %c0_i32_0 = arith.constant 0 : i32
    return %arg0, %c0_i32 : i32, i32
  }
  func.func @transform_4(%arg0: i32) -> (i32, i32) {
    %c0_i32 = arith.constant 0 : i32
    %c0_i32_0 = arith.constant 0 : i32
    %c0_i32_1 = arith.constant 0 : i32
    return %c0_i32, %c0_i32_0 : i32, i32
  }
  func.func @transform_5(%arg0: i32) -> (i32, i32) {
    %c0_i32 = arith.constant 0 : i32
    %c0_i32_0 = arith.constant 0 : i32
    %c0_i32_1 = arith.constant 0 : i32
    return %c0_i32, %c0_i32_0 : i32, i32
  }
  func.func @transform_6(%arg0: i32) -> (i32, i32) {
    %c0_i32 = arith.constant 0 : i32
    %c0_i32_0 = arith.constant 0 : i32
    return %arg0, %c0_i32 : i32, i32
  }
}

</mosaic_0001>

<sc_bundles>
// kernel: kernel.10.cloned.1.call-start
scs
__scs_entry_jumppad:
0x0: {  	(pc) =	sbr.rel $0x88, $3  }
0x1: {  	(tag) =	ssettag $0x0;
	lr =	simm.s32 $0x1  }
0x2: {  	[smem:$0x3F9D] =	sst lr;
	_ =	strace $0xD0000000  }
0x3: {  	_ = 	snop  }
0x4: {  	_ = 	snop  }
0x5: {  	_ = 	snop  }
0x6: {  	_ = 	snop  }
0x7: {  	_ = 	snop  }
__scs_overlays_trampoline_lowered:
0x8: {  	[smem:$0x3FAC] =	sst s0  }
0x9: {  	[smem:$0x3FAD] =	sst s1  }
0xa: {  	[smem:$0x3FAE] =	sst s2  }
0xb: {  	[smem:$0x3FAF] =	sst s3  }
0xc: {  	[smem:$0x3FB0] =	sst s4  }
0xd: {  	[smem:$0x3FB1] =	sst s5  }
0xe: {  	[smem:$0x3FB2] =	sst s6  }
0xf: {  	[smem:$0x3FB3] =	sst s7  }
0x10: {  	[smem:$0x3FB4] =	sst s8  }
0x11: {  	[smem:$0x3FB5] =	sst s9;
	s0 =	simm.s32 @!p0 $0x0  }
0x12: {  	s1 =	sld [smem:$0x3F9B];
	s0 =	simm.s32 @p0 $0x1  }
0x13: {  	[smem:$0x3FB6] =	sst s0;
	s0 =	simm.s32 @!p1 $0x0  }
0x14: {  	s2 =	sld [smem:$0x3F9A];
	s0 =	simm.s32 @p1 $0x1  }
0x15: {  	[smem:$0x3FB7] =	sst s0;
	s0 =	simm.s32 @!p2 $0x0  }
0x16: {  	s3 =	sld [smem:$0x3FDB];
	s0 =	simm.s32 @p2 $0x1  }
0x17: {  	s4 =	simm.s32 $0x1BF5;
	[smem:$0x3FB9] =	sst s0  }
0x18: {  	s0 =	sld [smem:$0x3F9C];
	_ =	swait.ge [sflag:s4], $0x0  }
0x19: {  	s7 =	sld [smem:$0x3F9D]  }
0x1a: {  	s8 =	sadd.s32 $0xFFFFE003, lr  }
0x1b: {  	s9 =	sadd.s32 $0xFFFFFEF7, lr;
	s5 =	simm.s32 $0xFFFFFFFF;
	p2 =	slt.u32 s8, $0xFFFFF086  }
0x1c: {  	p1 =	slt.u32 s9, $0xF7A;
	s5 =	simm.s32 @!p2 $0x0  }
0x1d: {  	s5 =	simm.s32 @p1 $0x1;
	p0 =	seq.s32 s7, s2  }
0x1e: {  	s7 =	smul.u32 @!p0 $0xF7A, s2;
	p2 =	seq.s32 @!p0 s5, $0x0  }
0x1f: {  	s9 =	smul.u32 $0xF7A, s1;
	s8 =	simm.s32 @!p0 $0x1BF5;
	p2 =	por !p2, p0  }
0x20: {  	[sflag:s8] =	ssyncset.s32 @!p0 $0xFFFFF086;
	s6 =	sadd.s32 @!p0 s3, s7;
	s7 =	simm.s32 @!p0 $0x108  }
0x21: {  	s3 =	sadd.s32 s3, s9;
	s6 =	sadd.s32 @!p0 $0x88, s6;
	s7 =	simm.s32 @p2 $0x1082  }
0x22: {  	[simem:s7], [sflag:s8] =	dma.local @!p0 [hbm:s6], $0xF7A  }
0x23: {  	s9 =	sor.u32 $0xD0000000, s2;
	s6 =	simm.s32 $0x108;
	_ =	swait.ge @!p0 [sflag:s8], $0x0  }
0x24: {  	s3 =	sadd.s32 $0x88, s3;
	s6 =	simm.s32 @!p1 $0x1082;
	[sflag:s4] =	ssyncset.s32 $0xFFFFF086  }
0x25: {  	[simem:s6], [sflag:s4] =	dma.local [hbm:s3], $0xF7A  }
0x26: {  	[smem:$0x3F9D] =	sst s1;
	(tag) =	ssettag s2;
	_ =	strace s9  }
0x27: {  	s1 =	sld [smem:$0x3FAD]  }
0x28: {  	s2 =	sld [smem:$0x3FAE]  }
0x29: {  	s4 =	sld [smem:$0x3FB0]  }
0x2a: {  	p0 =	seq.s32 s5, $0x0;
	s5 =	sld [smem:$0x3FB1]  }
0x2b: {  	s6 =	sld [smem:$0x3FB2]  }
0x2c: {  	s7 =	sld [smem:$0x3FB3]  }
0x2d: {  	s3 =	simm.s32 $0x108;
	s8 =	sld [smem:$0x3FB4]  }
0x2e: {  	s3 =	simm.s32 @!p0 $0x1082;
	s9 =	sld [smem:$0x3FB5]  }
0x2f: {  	lr =	sadd.s32 s0, s3;
	s0 =	sld [smem:$0x3FAC]  }
0x30: {  	s3 =	sld [smem:$0x3FAF]  }
0x31: {  	[smem:$0x3FB8] =	sst s10  }
0x32: {  	s10 =	sld [smem:$0x3FB6];
	_ =	sdelay $0x3  }
0x33: {  	p0 =	seq.s32 s10, $0x1;
	s10 =	sld [smem:$0x3FB8];
	_ =	sdelay $0x3  }
0x34: {  	[smem:$0x3FB8] =	sst s10  }
0x35: {  	s10 =	sld [smem:$0x3FB7];
	_ =	sdelay $0x3  }
0x36: {  	p1 =	seq.s32 s10, $0x1;
	s10 =	sld [smem:$0x3FB8];
	_ =	sdelay $0x3  }
0x37: {  	[smem:$0x3FB8] =	sst s10  }
0x38: {  	s10 =	sld [smem:$0x3FB9]  }
0x39: {  	_ = 	snop;
	(pc) =	sbr.ind lr, $3  }
0x3a: {  	_ = 	snop  }
0x3b: {  	_ = 	snop  }
0x3c: {  	p2 =	seq.s32 s10, $0x1;
	s10 =	sld [smem:$0x3FB8]  }
0x3d: {  	_ =	shalt  }
0x3e: {  	_ =	shalt  }
0x3f: {  	_ =	shalt  }
0x40: {  	_ =	shalt  }
0x41: {  	_ =	shalt  }
0x42: {  	_ =	shalt  }
0x43: {  	_ =	shalt  }
0x44: {  	_ =	shalt  }
0x45: {  	_ =	shalt  }
0x46: {  	_ =	shalt  }
0x47: {  	_ =	shalt  }
0x48: {  	_ =	shalt  }
0x49: {  	_ =	shalt  }
0x4a: {  	_ =	shalt  }
0x4b: {  	_ =	shalt  }
0x4c: {  	_ =	shalt  }
0x4d: {  	_ =	shalt  }
0x4e: {  	_ =	shalt  }
0x4f: {  	_ =	shalt  }
0x50: {  	_ =	shalt  }
0x51: {  	_ =	shalt  }
0x52: {  	_ =	shalt  }
0x53: {  	_ =	shalt  }
0x54: {  	_ =	shalt  }
0x55: {  	_ =	shalt  }
0x56: {  	_ =	shalt  }
0x57: {  	_ =	shalt  }
0x58: {  	_ =	shalt  }
0x59: {  	_ =	shalt  }
0x5a: {  	_ =	shalt  }
0x5b: {  	_ =	shalt  }
0x5c: {  	_ =	shalt  }
0x5d: {  	_ =	shalt  }
0x5e: {  	_ =	shalt  }
0x5f: {  	_ =	shalt  }
0x60: {  	_ =	shalt  }
0x61: {  	_ =	shalt  }
0x62: {  	_ =	shalt  }
0x63: {  	_ =	shalt  }
0x64: {  	_ =	shalt  }
0x65: {  	_ =	shalt  }
0x66: {  	_ =	shalt  }
0x67: {  	_ =	shalt  }
0x68: {  	_ =	shalt  }
0x69: {  	_ =	shalt  }
0x6a: {  	_ =	shalt  }
0x6b: {  	_ =	shalt  }
0x6c: {  	_ =	shalt  }
0x6d: {  	_ =	shalt  }
0x6e: {  	_ =	shalt  }
0x6f: {  	_ =	shalt  }
0x70: {  	_ =	shalt  }
0x71: {  	_ =	shalt  }
0x72: {  	_ =	shalt  }
0x73: {  	_ =	shalt  }
0x74: {  	_ =	shalt  }
0x75: {  	_ =	shalt  }
0x76: {  	_ =	shalt  }
0x77: {  	_ =	shalt  }
0x78: {  	_ =	shalt  }
0x79: {  	_ =	shalt  }
0x7a: {  	_ =	shalt  }
0x7b: {  	_ =	shalt  }
0x7c: {  	_ =	shalt  }
0x7d: {  	_ =	shalt  }
0x7e: {  	_ =	shalt  }
0x7f: {  	_ =	shalt  }
0x80: {  	_ =	shalt  }
0x81: {  	_ =	shalt  }
0x82: {  	_ =	shalt  }
0x83: {  	_ =	shalt  }
0x84: {  	_ =	shalt  }
0x85: {  	_ =	shalt  }
0x86: {  	_ =	shalt  }
0x87: {  	_ =	shalt  }
.Lfunc_end0:
.L_simem_size_0:
called_computation_lowered:
.L_overlay_start_0:
0x88: {  	s2 =	sld [smem:$0x3FD9]  }
0x89: {  	s3 =	sld [smem:$0x3FFE];
	_ =	sdelay $0x1  }
0x8a: {  	s1 =	srdreg.scid  }
0x8b: {  	s0 =	sand.u32 $0x1, s1  }
0x8c: {  	s17 =	sshll.u32 s0, $0xA;
	s2 =	sadd.s32 s3, s2  }
0x8d: {  	s2 =	sadd.s32 s2, s17  }
0x8e: {  	[smem:$0x3FC4] =	sst s2  }
0x8f: {  	_ = 	snop  }
0x90: {  	s2 =	sld [smem:$0x3FD0];
	(tm) =	ssettm $0x1  }
0x91: {  	s18 =	sld [smem:$0x3FFB];
	_ =	sdelay $0x3  }
0x92: {  	_ =	strace s18  }
0x93: {  	s3 =	sld [smem:$0x3FFC];
	_ =	sdelay $0x3  }
0x94: {  	_ =	strace s3  }
0x95: {  	s3 =	sld [smem:$0x3FFD];
	_ =	sdelay $0x3  }
0x96: {  	_ =	strace s3  }
0x97: {  	_ =	strace $0x8FFFFFFF  }
0x98: {  	s19 =	sld [smem:$0x3FDB];
	_ =	sdelay $0x1  }
0x99: {  	s4 =	simm.s32 $_scs_section_size  }
0x9a: {  	s5 =	simm.s32 $_size__tile_overlayer_lowered;
	s6 =	simm.s32 $_tile_overlayer_lowered  }
0x9b: {  	s22 =	simm.s32 $0x1BFF;
	s21 =	sshll.u32 s6, $0x1;
	s3 =	sadd.s32 s4, s19  }
0x9c: {  	s7 =	simm.s32 $0x0;
	s20 =	sshll.u32 s5, $0x1;
	s5 =	sadd.s32 s21, s3  }
0x9d: {  	[timem:s7], [sflag:s22] =	dma.local [hbm:s5], s20  }
0x9e: {  	_ =	swait.ge [sflag:s22], s20  }
0x9f: {  	s4 =	ssub.s32 $0x0, s20;
	[sflag:s22] =	ssyncset.done $0x0  }
0xa0: {  	[sflag:s22] =	ssyncadd.s32 s4;
	_ =	sdelay $0x1  }
0xa1: {  	s23 =	simm.s32 $0x1B8B  }
0xa2: {  	_ =	swait.ge [sflag:s23], $0x1  }
0xa3: {  	[sflag:s23] =	ssyncset.done $0x0  }
0xa4: {  	s25 =	simm.s32 $0x1B8E;
	s24 =	sld [smem:$0x3FFE];
	[sflag:s23] =	ssyncadd.s32 $0xFFFFFFFF  }
0xa5: {  	s26 =	simm.s32 $execute0_lowered;
	[smem:$0x3FD2] =	sst s25  }
0xa6: {  	s5 =	sshll.u32 s26, $0x1;
	_ =	strace $0x80000046;
	[dreg:$0x1] =	wrdreg $0xFFFFFFFF  }
0xa7: {  	s28 =	simm.s32 $_size_execute0_lowered;
	s3 =	sadd.s32 s3, s5;
	[dreg:$0x0] =	wrdreg $0x0  }
0xa8: {  	s5 =	sshll.u32 s28, $0x1;
	[dreg:$0x2] =	wrdreg s3  }
0xa9: {  	[dreg:$0x3] =	wrdreg s5  }
0xaa: {  	[dreg:$0x4] =	wrdreg $0xC0  }
0xab: {  	_ =	task [dreg:s7], $0x5FFFF  }
0xac: {  	[dreg:$0x1] =	wrdreg $0xFFFFFFFF  }
0xad: {  	[dreg:$0x0] =	wrdreg $0x60  }
0xae: {  	[dreg:$0x2] =	wrdreg s24  }
0xaf: {  	[dreg:$0x3] =	wrdreg s2  }
0xb0: {  	[dreg:$0x4] =	wrdreg $0x9  }
0xb1: {  	_ =	task.clear_ibuf [dreg:s7], $0x5FFFF;
	_ =	strace $0x90000046  }
0xb2: {  	s29 =	simm.s32 $0x9;
	_ =	strace $0x80000048  }
0xb3: {  	_ =	swait.ge [sflag:s29], $0x1  }
0xb4: {  	[sflag:s29] =	ssyncadd.s32 $0xFFFFFFFF  }
0xb5: {  	_ =	strace $0x90000048  }
0xb6: {  	_ =	sfence  }
0xb7: {  	s30 =	sld [smem:$0x0];
	_ =	sdelay $0x2  }
0xb8: {  	s31 =	sshll.u32 s1, $0xD;
	s1 =	sshrl.u32 s1, $0x2  }
0xb9: {  	s3 =	sand.u32 $0x4000, s31;
	s1 =	sadd.s32 s1, s30  }
0xba: {  	s0 =	sor.u32 s3, s0;
	s1 =	sshll.u32 s1, $0x11  }
0xbb: {  	s0 =	sor.u32 s1, s0  }
0xbc: {  	s0 =	sadd.s32 $0x8F2B, s0  }
0xbd: {  	[sflag:s0] =	ssyncadd.remote.s32 $0x1  }
0xbe: {  	_ =	sfence.sel $0xFFFF  }
0xbf: {  	[dreg:$0x0] =	wrdreg $0xFFFFFFFF;
	(pc) =	sbr.abs _section_cstart, $3  }
0xc0: {  	[dreg:$0x1] =	wrdreg $0xFFFFFFFF  }
0xc1: {  	_ =	task.clear_ibuf [dreg:s7], $0x2FFFF;
	_ =	strace $0x9FFFFFFF  }
0xc2: {  	(tm) =	ssettm $0x7FFFFFFF  }
0xc3: {  	_ =	shalt  }
tec
execute0_lowered:
.L_overlay_start_1:
0x0: {  	(tag) =	ssettag $0x1  }
0x1: {  	s3 =	rddreg [dreg:$0x0];
	s0 =	srdreg.scid  }
0x2: {  	s4 =	rddreg [dreg:$0x1];
	s1 =	stileid.u32;
	s2 =	simm.s32 $0x0  }
0x3: {  	s5 =	sand.u32 $0x1, s0;
	s0 =	rddreg [dreg:$0x2];
	s7 =	smul.u32 $0x2710, s1  }
0x4: {  	[smem:$0x7FF] =	sst s2;
	s6 =	smul.u32 $0x27100, s5;
	s8 =	sshll.u32 s5, $0x4  }
0x5: {  	s5 =	ssub.s32 $0x2, s5;
	_ =	strace $0x80000047;
	s30 =	sor.u32 s1, s8  }
0x6: {  	s31 =	sshrl.u32 s5, $0x1;
	s6 =	sadd.s32 s7, s6;
	s7 =	smul.u32 $0x500, s30  }
0x7: {  	s8 =	simm.s32 $0x0;
	s5 =	ssub.s32 s5, s31;
	s6 =	sshrl.u32 s6, $0x3  }
0x8: {  	s6 =	sadd.s32 s6, s3;
	s3 =	sadd.s32 s4, s7;
	s4 =	smax.u32 s5, $0x1  }
0x9: {  	v0 =	vimm.f32 $0.0e+00;
	v1 =	vimm.f32 $1.000000000e+00;
	s7 =	simm.s32 $0x80;
	s5 =	sadd.s32 $0x4C00, s6;
	s6 =	simm.s32 $0x1  }
.LBB2_1:
0xa: {  	s9 =	simm.s32 $0x0  }
.LBB2_2:
0xb: {  	p0 =	sne.s32 s9, $0x9FC0  }
.Ltmp0:
0xc: {  	_ = 	snop;
	(pc) =	sbr.rel @p0 .LBB2_2-.Ltmp0, $3  }
0xd: {  	_ =	sdelay $0x1  }
0xe: {  	s10 =	sshra.s32 s9, $0x2  }
0xf: {  	s9 =	sadd.s32 $0x40, s9;
	[tilespmem:s10+$0x80] =	vst v0  }
0x10: {  	s9 =	simm.s32 $0x0  }
.LBB2_4:
0x11: {  	s10 =	sadd.s32 s9, s5  }
0x12: {  	[tilespmem:s2], [sflag:$0x1] =	stream.linear.gather [hbm4b:s10+s2], $0x50, $0x38;
	[tilespmem:$0x2880] =	vst v63  }
0x13: {  	_ =	swait.ge [sflag:s6], $0x50  }
0x14: {  	[sflag:s6] =	ssyncset.done $0x0  }
0x15: {  	[sflag:s6] =	ssyncadd.s32 $0xFFFFFFB0  }
0x16: {  	v2 =	vld [tilespmem:$0x0];
	_ =	sdelay $0x7  }
0x17: {  	[tilespmem:v2+s7+$0x0] =	vst.idx.add.f32.msk $0xffff, v1  }
0x18: {  	v2 =	vld [tilespmem:$0x10];
	_ =	sdelay $0x7  }
0x19: {  	[tilespmem:v2+s7+$0x0] =	vst.idx.add.f32.msk $0xffff, v1  }
0x1a: {  	v2 =	vld [tilespmem:$0x20];
	_ =	sdelay $0x7  }
0x1b: {  	[tilespmem:v2+s7+$0x0] =	vst.idx.add.f32.msk $0xffff, v1  }
0x1c: {  	v2 =	vld [tilespmem:$0x30];
	_ =	sdelay $0x7  }
0x1d: {  	[tilespmem:v2+s7+$0x0] =	vst.idx.add.f32.msk $0xffff, v1  }
0x1e: {  	v2 =	vld [tilespmem:$0x40];
	_ =	sdelay $0x2  }
0x1f: {  	p0 =	sne.s32 s9, $0x4D8  }
.Ltmp1:
0x20: {  	_ = 	snop;
	(pc) =	sbr.rel @p0 .LBB2_4-.Ltmp1, $2  }
0x21: {  	_ =	sdelay $0x2  }
0x22: {  	s9 =	sadd.s32 $0xA, s9;
	[tilespmem:v2+s7+$0x0] =	vst.idx.add.f32.msk $0xffff, v1  }
0x23: {  	s8 =	sadd.s32 $0x1, s8  }
0x24: {  	p0 =	sne.s32 s8, s4  }
.Ltmp2:
0x25: {  	_ = 	snop;
	(pc) =	sbr.rel @p0 .LBB2_1-.Ltmp2, $4  }
0x26: {  	[hbm4b:s3+s2] =	stream.linear.scatter [tilespmem:s7], [sflag:$0x1], $0x2800, $0x38;
	[tilespmem:$0x2880] =	vst v63  }
0x27: {  	_ =	swait.ge [sflag:s6], $0x2800  }
0x28: {  	[sflag:s6] =	ssyncset.done $0x0  }
0x29: {  	[sflag:s6] =	ssyncadd.s32 $0xFFFFD800  }
0x2a: {  	_ =	sfence.sel $0x180000  }
0x2b: {  	[bflag:$0x0] =	sbarrier.arrive $0xFFFF  }
0x2c: {  	p0 =	sne.s32 s1, $0x0;
	_ =	strace $0x90000047  }
0x2d: {  	s0 =	sadd.s32 @!p0 $0x100000, s0;
	[bflag:$0x2] =	sbarrier.arrive $0xFFFF  }
0x2e: {  	[sflag:s0] =	ssyncadd.tile.s32 @!p0 $0x1;
	_ =	shalt  }
.Lfunc_end2:
_tile_overlayer_lowered:
.L_overlay_start_2:
0x2f: {  	(tag) =	ssettag $0x2  }
0x30: {  	s0 =	rddreg [dreg:$0x0];
	s2 =	stileid.u32  }
0x31: {  	s1 =	rddreg [dreg:$0x1];
	p0 =	sne.s32 s2, $0x0  }
0x32: {  	s3 =	rddreg [dreg:$0x2];
	[bflag:$0x3] =	sbarrier.arrive $0xFFFF;
	s2 =	simm.s32 @!p0 $0x1C01  }
0x33: {  	[timem:s3], [sflag:s2] =	dma.local @!p0 [hbm:s0], s1  }
0x34: {  	s0 =	simm.s32 @!p0 $0x1  }
0x35: {  	_ =	swait.ge @!p0 [sflag:s0], s1  }
0x36: {  	s1 =	ssub.s32 @!p0 $0x0, s1;
	[sflag:s0] =	ssyncset.done @!p0 $0x0  }
0x37: {  	[sflag:s0] =	ssyncadd.s32 @!p0 s1  }
0x38: {  	[bflag:$0x3] =	sbarrier.arrive $0xFFFF  }
0x39: {  	_ =	shalt  }

// kernel: kernel.13.cloned.1.call-start
scs
__scs_entry_jumppad:
0x0: {  	(pc) =	sbr.rel $0x88, $3  }
0x1: {  	(tag) =	ssettag $0x0;
	lr =	simm.s32 $0x1  }
0x2: {  	[smem:$0x3F9D] =	sst lr;
	_ =	strace $0xD0000000  }
0x3: {  	_ = 	snop  }
0x4: {  	_ = 	snop  }
0x5: {  	_ = 	snop  }
0x6: {  	_ = 	snop  }
0x7: {  	_ = 	snop  }
__scs_overlays_trampoline_lowered:
0x8: {  	[smem:$0x3FAC] =	sst s0  }
0x9: {  	[smem:$0x3FAD] =	sst s1  }
0xa: {  	[smem:$0x3FAE] =	sst s2  }
0xb: {  	[smem:$0x3FAF] =	sst s3  }
0xc: {  	[smem:$0x3FB0] =	sst s4  }
0xd: {  	[smem:$0x3FB1] =	sst s5  }
0xe: {  	[smem:$0x3FB2] =	sst s6  }
0xf: {  	[smem:$0x3FB3] =	sst s7  }
0x10: {  	[smem:$0x3FB4] =	sst s8  }
0x11: {  	[smem:$0x3FB5] =	sst s9;
	s0 =	simm.s32 @!p0 $0x0  }
0x12: {  	s1 =	sld [smem:$0x3F9B];
	s0 =	simm.s32 @p0 $0x1  }
0x13: {  	[smem:$0x3FB6] =	sst s0;
	s0 =	simm.s32 @!p1 $0x0  }
0x14: {  	s2 =	sld [smem:$0x3F9A];
	s0 =	simm.s32 @p1 $0x1  }
0x15: {  	[smem:$0x3FB7] =	sst s0;
	s0 =	simm.s32 @!p2 $0x0  }
0x16: {  	s3 =	sld [smem:$0x3FDB];
	s0 =	simm.s32 @p2 $0x1  }
0x17: {  	s4 =	simm.s32 $0x1BF5;
	[smem:$0x3FB9] =	sst s0  }
0x18: {  	s0 =	sld [smem:$0x3F9C];
	_ =	swait.ge [sflag:s4], $0x0  }
0x19: {  	s7 =	sld [smem:$0x3F9D]  }
0x1a: {  	s8 =	sadd.s32 $0xFFFFE003, lr  }
0x1b: {  	s9 =	sadd.s32 $0xFFFFFEF7, lr;
	s5 =	simm.s32 $0xFFFFFFFF;
	p2 =	slt.u32 s8, $0xFFFFF086  }
0x1c: {  	p1 =	slt.u32 s9, $0xF7A;
	s5 =	simm.s32 @!p2 $0x0  }
0x1d: {  	s5 =	simm.s32 @p1 $0x1;
	p0 =	seq.s32 s7, s2  }
0x1e: {  	s7 =	smul.u32 @!p0 $0xF7A, s2;
	p2 =	seq.s32 @!p0 s5, $0x0  }
0x1f: {  	s9 =	smul.u32 $0xF7A, s1;
	s8 =	simm.s32 @!p0 $0x1BF5;
	p2 =	por !p2, p0  }
0x20: {  	[sflag:s8] =	ssyncset.s32 @!p0 $0xFFFFF086;
	s6 =	sadd.s32 @!p0 s3, s7;
	s7 =	simm.s32 @!p0 $0x108  }
0x21: {  	s3 =	sadd.s32 s3, s9;
	s6 =	sadd.s32 @!p0 $0x88, s6;
	s7 =	simm.s32 @p2 $0x1082  }
0x22: {  	[simem:s7], [sflag:s8] =	dma.local @!p0 [hbm:s6], $0xF7A  }
0x23: {  	s9 =	sor.u32 $0xD0000000, s2;
	s6 =	simm.s32 $0x108;
	_ =	swait.ge @!p0 [sflag:s8], $0x0  }
0x24: {  	s3 =	sadd.s32 $0x88, s3;
	s6 =	simm.s32 @!p1 $0x1082;
	[sflag:s4] =	ssyncset.s32 $0xFFFFF086  }
0x25: {  	[simem:s6], [sflag:s4] =	dma.local [hbm:s3], $0xF7A  }
0x26: {  	[smem:$0x3F9D] =	sst s1;
	(tag) =	ssettag s2;
	_ =	strace s9  }
0x27: {  	s1 =	sld [smem:$0x3FAD]  }
0x28: {  	s2 =	sld [smem:$0x3FAE]  }
0x29: {  	s4 =	sld [smem:$0x3FB0]  }
0x2a: {  	p0 =	seq.s32 s5, $0x0;
	s5 =	sld [smem:$0x3FB1]  }
0x2b: {  	s6 =	sld [smem:$0x3FB2]  }
0x2c: {  	s7 =	sld [smem:$0x3FB3]  }
0x2d: {  	s3 =	simm.s32 $0x108;
	s8 =	sld [smem:$0x3FB4]  }
0x2e: {  	s3 =	simm.s32 @!p0 $0x1082;
	s9 =	sld [smem:$0x3FB5]  }
0x2f: {  	lr =	sadd.s32 s0, s3;
	s0 =	sld [smem:$0x3FAC]  }
0x30: {  	s3 =	sld [smem:$0x3FAF]  }
0x31: {  	[smem:$0x3FB8] =	sst s10  }
0x32: {  	s10 =	sld [smem:$0x3FB6];
	_ =	sdelay $0x3  }
0x33: {  	p0 =	seq.s32 s10, $0x1;
	s10 =	sld [smem:$0x3FB8];
	_ =	sdelay $0x3  }
0x34: {  	[smem:$0x3FB8] =	sst s10  }
0x35: {  	s10 =	sld [smem:$0x3FB7];
	_ =	sdelay $0x3  }
0x36: {  	p1 =	seq.s32 s10, $0x1;
	s10 =	sld [smem:$0x3FB8];
	_ =	sdelay $0x3  }
0x37: {  	[smem:$0x3FB8] =	sst s10  }
0x38: {  	s10 =	sld [smem:$0x3FB9]  }
0x39: {  	_ = 	snop;
	(pc) =	sbr.ind lr, $3  }
0x3a: {  	_ = 	snop  }
0x3b: {  	_ = 	snop  }
0x3c: {  	p2 =	seq.s32 s10, $0x1;
	s10 =	sld [smem:$0x3FB8]  }
0x3d: {  	_ =	shalt  }
0x3e: {  	_ =	shalt  }
0x3f: {  	_ =	shalt  }
0x40: {  	_ =	shalt  }
0x41: {  	_ =	shalt  }
0x42: {  	_ =	shalt  }
0x43: {  	_ =	shalt  }
0x44: {  	_ =	shalt  }
0x45: {  	_ =	shalt  }
0x46: {  	_ =	shalt  }
0x47: {  	_ =	shalt  }
0x48: {  	_ =	shalt  }
0x49: {  	_ =	shalt  }
0x4a: {  	_ =	shalt  }
0x4b: {  	_ =	shalt  }
0x4c: {  	_ =	shalt  }
0x4d: {  	_ =	shalt  }
0x4e: {  	_ =	shalt  }
0x4f: {  	_ =	shalt  }
0x50: {  	_ =	shalt  }
0x51: {  	_ =	shalt  }
0x52: {  	_ =	shalt  }
0x53: {  	_ =	shalt  }
0x54: {  	_ =	shalt  }
0x55: {  	_ =	shalt  }
0x56: {  	_ =	shalt  }
0x57: {  	_ =	shalt  }
0x58: {  	_ =	shalt  }
0x59: {  	_ =	shalt  }
0x5a: {  	_ =	shalt  }
0x5b: {  	_ =	shalt  }
0x5c: {  	_ =	shalt  }
0x5d: {  	_ =	shalt  }
0x5e: {  	_ =	shalt  }
0x5f: {  	_ =	shalt  }
0x60: {  	_ =	shalt  }
0x61: {  	_ =	shalt  }
0x62: {  	_ =	shalt  }
0x63: {  	_ =	shalt  }
0x64: {  	_ =	shalt  }
0x65: {  	_ =	shalt  }
0x66: {  	_ =	shalt  }
0x67: {  	_ =	shalt  }
0x68: {  	_ =	shalt  }
0x69: {  	_ =	shalt  }
0x6a: {  	_ =	shalt  }
0x6b: {  	_ =	shalt  }
0x6c: {  	_ =	shalt  }
0x6d: {  	_ =	shalt  }
0x6e: {  	_ =	shalt  }
0x6f: {  	_ =	shalt  }
0x70: {  	_ =	shalt  }
0x71: {  	_ =	shalt  }
0x72: {  	_ =	shalt  }
0x73: {  	_ =	shalt  }
0x74: {  	_ =	shalt  }
0x75: {  	_ =	shalt  }
0x76: {  	_ =	shalt  }
0x77: {  	_ =	shalt  }
0x78: {  	_ =	shalt  }
0x79: {  	_ =	shalt  }
0x7a: {  	_ =	shalt  }
0x7b: {  	_ =	shalt  }
0x7c: {  	_ =	shalt  }
0x7d: {  	_ =	shalt  }
0x7e: {  	_ =	shalt  }
0x7f: {  	_ =	shalt  }
0x80: {  	_ =	shalt  }
0x81: {  	_ =	shalt  }
0x82: {  	_ =	shalt  }
0x83: {  	_ =	shalt  }
0x84: {  	_ =	shalt  }
0x85: {  	_ =	shalt  }
0x86: {  	_ =	shalt  }
0x87: {  	_ =	shalt  }
.Lfunc_end0:
.L_simem_size_0:
called_computation.1_lowered:
.L_overlay_start_0:
0x88: {  	s2 =	sld [smem:$0x3FD9]  }
0x89: {  	s3 =	sld [smem:$0x3FFE];
	_ =	sdelay $0x1  }
0x8a: {  	s1 =	srdreg.scid  }
0x8b: {  	s0 =	sand.u32 $0x1, s1  }
0x8c: {  	s17 =	sshll.u32 s0, $0xA;
	s2 =	sadd.s32 s3, s2  }
0x8d: {  	s2 =	sadd.s32 s2, s17  }
0x8e: {  	[smem:$0x3FC4] =	sst s2  }
0x8f: {  	_ = 	snop  }
0x90: {  	s2 =	sld [smem:$0x3FD0];
	(tm) =	ssettm $0x1  }
0x91: {  	s18 =	sld [smem:$0x3FFB];
	_ =	sdelay $0x3  }
0x92: {  	_ =	strace s18  }
0x93: {  	s3 =	sld [smem:$0x3FFC];
	_ =	sdelay $0x3  }
0x94: {  	_ =	strace s3  }
0x95: {  	s3 =	sld [smem:$0x3FFD];
	_ =	sdelay $0x3  }
0x96: {  	_ =	strace s3  }
0x97: {  	_ =	strace $0x8FFFFFFF  }
0x98: {  	s19 =	sld [smem:$0x3FDB];
	_ =	sdelay $0x1  }
0x99: {  	s4 =	simm.s32 $_scs_section_size  }
0x9a: {  	s5 =	simm.s32 $_size__tile_overlayer_lowered;
	s6 =	simm.s32 $_tile_overlayer_lowered  }
0x9b: {  	s22 =	simm.s32 $0x1BFF;
	s21 =	sshll.u32 s6, $0x1;
	s3 =	sadd.s32 s4, s19  }
0x9c: {  	s7 =	simm.s32 $0x0;
	s20 =	sshll.u32 s5, $0x1;
	s5 =	sadd.s32 s21, s3  }
0x9d: {  	[timem:s7], [sflag:s22] =	dma.local [hbm:s5], s20  }
0x9e: {  	_ =	swait.ge [sflag:s22], s20  }
0x9f: {  	s4 =	ssub.s32 $0x0, s20;
	[sflag:s22] =	ssyncset.done $0x0  }
0xa0: {  	[sflag:s22] =	ssyncadd.s32 s4;
	_ =	sdelay $0x1  }
0xa1: {  	s23 =	simm.s32 $0x1B8B  }
0xa2: {  	_ =	swait.ge [sflag:s23], $0x1  }
0xa3: {  	[sflag:s23] =	ssyncset.done $0x0  }
0xa4: {  	s25 =	simm.s32 $0x1B8E;
	s24 =	sld [smem:$0x3FFE];
	[sflag:s23] =	ssyncadd.s32 $0xFFFFFFFF  }
0xa5: {  	s26 =	simm.s32 $execute0_lowered;
	[smem:$0x3FD2] =	sst s25  }
0xa6: {  	s5 =	sshll.u32 s26, $0x1;
	_ =	strace $0x80000049;
	[dreg:$0x1] =	wrdreg $0xFFFFFFFF  }
0xa7: {  	s28 =	simm.s32 $_size_execute0_lowered;
	s3 =	sadd.s32 s3, s5;
	[dreg:$0x0] =	wrdreg $0x0  }
0xa8: {  	s5 =	sshll.u32 s28, $0x1;
	[dreg:$0x2] =	wrdreg s3  }
0xa9: {  	[dreg:$0x3] =	wrdreg s5  }
0xaa: {  	[dreg:$0x4] =	wrdreg $0xC0  }
0xab: {  	_ =	task [dreg:s7], $0x5FFFF  }
0xac: {  	[dreg:$0x1] =	wrdreg $0xFFFFFFFF  }
0xad: {  	[dreg:$0x0] =	wrdreg $0x60  }
0xae: {  	[dreg:$0x2] =	wrdreg s24  }
0xaf: {  	[dreg:$0x3] =	wrdreg s2  }
0xb0: {  	[dreg:$0x4] =	wrdreg $0x29000  }
0xb1: {  	[dreg:$0x5] =	wrdreg $0x9  }
0xb2: {  	_ =	task.clear_ibuf [dreg:s7], $0x6FFFF;
	_ =	strace $0x90000049  }
0xb3: {  	s29 =	simm.s32 $0x9;
	_ =	strace $0x8000004B  }
0xb4: {  	_ =	swait.ge [sflag:s29], $0x1  }
0xb5: {  	[sflag:s29] =	ssyncadd.s32 $0xFFFFFFFF  }
0xb6: {  	_ =	strace $0x9000004B  }
0xb7: {  	_ =	sfence  }
0xb8: {  	s30 =	sld [smem:$0x0];
	_ =	sdelay $0x2  }
0xb9: {  	s31 =	sshll.u32 s1, $0xD;
	s1 =	sshrl.u32 s1, $0x2  }
0xba: {  	s3 =	sand.u32 $0x4000, s31;
	s1 =	sadd.s32 s1, s30  }
0xbb: {  	s0 =	sor.u32 s3, s0;
	s1 =	sshll.u32 s1, $0x11  }
0xbc: {  	s0 =	sor.u32 s1, s0  }
0xbd: {  	s0 =	sadd.s32 $0x8F2B, s0  }
0xbe: {  	[sflag:s0] =	ssyncadd.remote.s32 $0x1  }
0xbf: {  	_ =	sfence.sel $0xFFFF  }
0xc0: {  	[dreg:$0x0] =	wrdreg $0xFFFFFFFF;
	(pc) =	sbr.abs _section_cstart, $3  }
0xc1: {  	[dreg:$0x1] =	wrdreg $0xFFFFFFFF  }
0xc2: {  	_ =	task.clear_ibuf [dreg:s7], $0x2FFFF;
	_ =	strace $0x9FFFFFFF  }
0xc3: {  	(tm) =	ssettm $0x7FFFFFFF  }
tec
execute0_lowered:
.L_overlay_start_1:
0x0: {  	(tag) =	ssettag $0x1  }
0x1: {  	s14 =	rddreg [dreg:$0x0]  }
0x2: {  	s2 =	rddreg [dreg:$0x1]  }
0x3: {  	s0 =	srdreg.scid;
	s3 =	rddreg [dreg:$0x2]  }
0x4: {  	s1 =	stileid.u32;
	s4 =	simm.s32 $0x0;
	s15 =	simm.s32 $0x67A00  }
0x5: {  	s18 =	simm.s32 $0x2;
	s19 =	simm.s32 $0x80;
	s6 =	smul.u32 $0x2710, s1  }
0x6: {  	s20 =	simm.s32 $0x50;
	s21 =	simm.s32 $0x1;
	s7 =	smul.u32 $0x50000, s1  }
0x7: {  	s11 =	sand.u32 $0x1, s0;
	s0 =	rddreg [dreg:$0x3];
	s17 =	smul.u32 $0x2800, s1  }
0x8: {  	s22 =	simm.s32 $0x0;
	[smem:$0x7FF] =	sst s4;
	s5 =	smul.u32 $0x27100, s11  }
0x9: {  	_ =	strace $0x8000004A;
	s31 =	ssub.s32 $0x2, s11;
	p0 =	seq.s32 s11, $0x1  }
0xa: {  	s7 =	sshrl.u32 s7, $0x2;
	s9 =	sshrl.u32 s31, $0x1;
	s5 =	sadd.s32 s6, s5  }
0xb: {  	s15 =	simm.s32 @!p0 $0x3FA00;
	s13 =	ssub.s32 s31, s9;
	s8 =	sshrl.u32 s5, $0x3  }
0xc: {  	s5 =	sadd.s32 s7, s3;
	s13 =	smax.u32 s13, $0x1;
	s16 =	sadd.s32 s8, s14  }
0xd: {  	s6 =	sadd.s32 $0x2800, s5;
	s7 =	sadd.s32 $0x5000, s5;
	s8 =	sadd.s32 $0x7800, s5  }
0xe: {  	s9 =	sadd.s32 $0xA000, s5;
	s10 =	sadd.s32 $0xC800, s5;
	s14 =	sadd.s32 s15, s14  }
0xf: {  	s11 =	sadd.s32 $0xF000, s5;
	s12 =	sadd.s32 $0x11800, s5;
	s14 =	sadd.s32 s14, s17  }
0x10: {  	v0 =	vimm.f32 $0.0e+00;
	s15 =	sadd.s32 $0x4C00, s16;
	s16 =	sadd.s32 $0xEA00, s16;
	s17 =	simm.s32 $0x100  }
.LBB2_1:
0x11: {  	s23 =	simm.s32 $0x0;
	s24 =	simm.s32 $0x200  }
.LBB2_2:
0x12: {  	p0 =	sne.s32 s24, $0x9E00;
	[tilespmem:s23+$0x170] =	vst v0  }
0x13: {  	[tilespmem:s23+$0x100] =	vst v0  }
0x14: {  	[tilespmem:s23+$0x110] =	vst v0  }
.Ltmp0:
0x15: {  	[tilespmem:s23+$0x120] =	vst v0;
	(pc) =	sbr.rel @p0 .LBB2_2-.Ltmp0, $4  }
0x16: {  	[tilespmem:s23+$0x130] =	vst v0  }
0x17: {  	[tilespmem:s23+$0x140] =	vst v0  }
0x18: {  	[tilespmem:s23+$0x150] =	vst v0  }
0x19: {  	[tilespmem:s23+$0x160] =	vst v0;
	s23 =	sshra.s32 s24, $0x2;
	s24 =	sadd.s32 $0x200, s24  }
0x1a: {  	[tilespmem:s23+$0x170] =	vst v0  }
0x1b: {  	[tilespmem:s23+$0x100] =	vst v0  }
0x1c: {  	[tilespmem:s23+$0x110] =	vst v0  }
0x1d: {  	[tilespmem:s23+$0x120] =	vst v0  }
0x1e: {  	[tilespmem:s23+$0x130] =	vst v0  }
0x1f: {  	[tilespmem:s23+$0x140] =	vst v0  }
0x20: {  	[tilespmem:s23+$0x150] =	vst v0  }
0x21: {  	[tilespmem:s23+$0x160] =	vst v0  }
0x22: {  	[spmem:s5] =	stream.linear.scatter [tilespmem:s17], [sflag:$0x2], $0x2800, $0x38;
	[tilespmem:$0x16900] =	vst v63  }
0x23: {  	_ =	swait.ge [sflag:s18], $0x2800  }
0x24: {  	[sflag:s18] =	ssyncset.done $0x0  }
0x25: {  	[sflag:s18] =	ssyncadd.s32 $0xFFFFD800  }
0x26: {  	[spmem:s6] =	stream.linear.scatter [tilespmem:s17], [sflag:$0x2], $0x2800, $0x38;
	[tilespmem:$0x16900] =	vst v63  }
0x27: {  	_ =	swait.ge [sflag:s18], $0x2800  }
0x28: {  	[sflag:s18] =	ssyncset.done $0x0  }
0x29: {  	[sflag:s18] =	ssyncadd.s32 $0xFFFFD800  }
0x2a: {  	[spmem:s7] =	stream.linear.scatter [tilespmem:s17], [sflag:$0x2], $0x2800, $0x38;
	[tilespmem:$0x16900] =	vst v63  }
0x2b: {  	_ =	swait.ge [sflag:s18], $0x2800  }
0x2c: {  	[sflag:s18] =	ssyncset.done $0x0  }
0x2d: {  	[sflag:s18] =	ssyncadd.s32 $0xFFFFD800  }
0x2e: {  	[spmem:s8] =	stream.linear.scatter [tilespmem:s17], [sflag:$0x2], $0x2800, $0x38;
	[tilespmem:$0x16900] =	vst v63  }
0x2f: {  	_ =	swait.ge [sflag:s18], $0x2800  }
0x30: {  	[sflag:s18] =	ssyncset.done $0x0  }
0x31: {  	[sflag:s18] =	ssyncadd.s32 $0xFFFFD800  }
0x32: {  	[spmem:s9] =	stream.linear.scatter [tilespmem:s17], [sflag:$0x2], $0x2800, $0x38;
	[tilespmem:$0x16900] =	vst v63  }
0x33: {  	_ =	swait.ge [sflag:s18], $0x2800  }
0x34: {  	[sflag:s18] =	ssyncset.done $0x0  }
0x35: {  	[sflag:s18] =	ssyncadd.s32 $0xFFFFD800  }
0x36: {  	[spmem:s10] =	stream.linear.scatter [tilespmem:s17], [sflag:$0x2], $0x2800, $0x38;
	[tilespmem:$0x16900] =	vst v63  }
0x37: {  	_ =	swait.ge [sflag:s18], $0x2800  }
0x38: {  	[sflag:s18] =	ssyncset.done $0x0  }
0x39: {  	[sflag:s18] =	ssyncadd.s32 $0xFFFFD800  }
0x3a: {  	[spmem:s11] =	stream.linear.scatter [tilespmem:s17], [sflag:$0x2], $0x2800, $0x38;
	[tilespmem:$0x16900] =	vst v63  }
0x3b: {  	_ =	swait.ge [sflag:s18], $0x2800  }
0x3c: {  	[sflag:s18] =	ssyncset.done $0x0  }
0x3d: {  	[sflag:s18] =	ssyncadd.s32 $0xFFFFD800  }
0x3e: {  	[spmem:s12] =	stream.linear.scatter [tilespmem:s17], [sflag:$0x2], $0x2800, $0x38;
	[tilespmem:$0x16900] =	vst v63  }
0x3f: {  	_ =	swait.ge [sflag:s18], $0x2800  }
0x40: {  	[sflag:s18] =	ssyncset.done $0x0  }
0x41: {  	[sflag:s18] =	ssyncadd.s32 $0xFFFFD800  }
0x42: {  	s30 =	sadd.s32 $0x0, s16;
	[bflag:$0x0] =	sbarrier.arrive $0xFFFF  }
0x43: {  	[tilespmem:s4], [sflag:$0x2] =	stream.linear.gather [hbm4b:s30+s4], $0x50, $0x38;
	[tilespmem:$0x16900] =	vst v63  }
0x44: {  	_ =	swait.ge [sflag:s18], $0x50  }
0x45: {  	[sflag:s18] =	ssyncset.done $0x0  }
0x46: {  	s31 =	sadd.s32 $0x0, s15;
	[sflag:s18] =	ssyncadd.s32 $0xFFFFFFB0  }
0x47: {  	[tilespmem:s19], [sflag:$0x2] =	stream.linear.gather [hbm4b:s31+s4], $0x50, $0x38;
	[tilespmem:$0x16900] =	vst v63  }
0x48: {  	_ =	swait.ge [sflag:s18], $0x50  }
0x49: {  	[sflag:s18] =	ssyncset.done $0x0  }
0x4a: {  	[sflag:s18] =	ssyncadd.s32 $0xFFFFFFB0  }
0x4b: {  	[tilespmem:s17], [sflag:$0x1] =	stream.indirect.gather [hbm4b:s2+s20], $0x80, s4, s20, $0xb8;
	[tilespmem:$0x16900] =	vst v63  }
0x4c: {  	_ =	swait.ge [sflag:s21], $0x2800  }
0x4d: {  	[sflag:s21] =	ssyncset.done $0x0  }
0x4e: {  	[sflag:s21] =	ssyncadd.s32 $0xFFFFD800  }
0x4f: {  	[spmem:s3] =	stream.indirect.scatter.add.f32 [tilespmem:s17], [sflag:$0x2], $0x80, s19, s20, $0xb8;
	[tilespmem:$0x16900] =	vst v63  }
0x50: {  	_ =	swait.ge [sflag:s18], $0x2800  }
0x51: {  	s23 =	simm.s32 $0xA;
	s24 =	simm.s32 $0x14;
	[sflag:s18] =	ssyncset.done $0x0  }
.LBB2_4:
0x52: {  	s25 =	sadd.s32 s23, s16  }
0x53: {  	[sflag:s18] =	ssyncadd.s32 $0xFFFFD800;
	s26 =	smov.u32 s24;
	s28 =	sadd.s32 $0xA, s24  }
0x54: {  	[tilespmem:s4], [sflag:$0x2] =	stream.linear.gather [hbm4b:s25+s4], $0x50, $0x38;
	[tilespmem:$0x16900] =	vst v63  }
0x55: {  	p0 =	sne.s32 s24, $0x4D8;
	_ =	swait.ge [sflag:s18], $0x50  }
0x56: {  	[sflag:s18] =	ssyncset.done $0x0  }
0x57: {  	s24 =	sadd.s32 s23, s15;
	s23 =	smov.u32 s26;
	[sflag:s18] =	ssyncadd.s32 $0xFFFFFFB0  }
0x58: {  	[tilespmem:s19], [sflag:$0x2] =	stream.linear.gather [hbm4b:s24+s4], $0x50, $0x38;
	[tilespmem:$0x16900] =	vst v63  }
0x59: {  	_ =	swait.ge [sflag:s18], $0x50  }
0x5a: {  	[sflag:s18] =	ssyncset.done $0x0  }
0x5b: {  	[sflag:s18] =	ssyncadd.s32 $0xFFFFFFB0  }
0x5c: {  	[tilespmem:s17], [sflag:$0x1] =	stream.indirect.gather [hbm4b:s2+s20], $0x80, s4, s20, $0xb8;
	[tilespmem:$0x16900] =	vst v63  }
0x5d: {  	_ =	swait.ge [sflag:s21], $0x2800  }
.Ltmp1:
0x5e: {  	[sflag:s21] =	ssyncset.done $0x0;
	(pc) =	sbr.rel @p0 .LBB2_4-.Ltmp1, $4  }
0x5f: {  	[sflag:s21] =	ssyncadd.s32 $0xFFFFD800  }
0x60: {  	[spmem:s3] =	stream.indirect.scatter.add.f32 [tilespmem:s17], [sflag:$0x2], $0x80, s19, s20, $0xb8;
	[tilespmem:$0x16900] =	vst v63  }
0x61: {  	_ =	swait.ge [sflag:s18], $0x2800  }
0x62: {  	s24 =	smov.u32 s28;
	[sflag:s18] =	ssyncset.done $0x0  }
0x63: {  	s24 =	sadd.s32 s23, s16;
	[sflag:s18] =	ssyncadd.s32 $0xFFFFD800  }
0x64: {  	[tilespmem:s4], [sflag:$0x2] =	stream.linear.gather [hbm4b:s24+s4], $0x50, $0x38;
	[tilespmem:$0x16900] =	vst v63  }
0x65: {  	_ =	swait.ge [sflag:s18], $0x50  }
0x66: {  	[sflag:s18] =	ssyncset.done $0x0  }
0x67: {  	s29 =	sadd.s32 s23, s15;
	[sflag:s18] =	ssyncadd.s32 $0xFFFFFFB0  }
0x68: {  	[tilespmem:s19], [sflag:$0x2] =	stream.linear.gather [hbm4b:s29+s4], $0x50, $0x38;
	[tilespmem:$0x16900] =	vst v63  }
0x69: {  	_ =	swait.ge [sflag:s18], $0x50  }
0x6a: {  	[sflag:s18] =	ssyncset.done $0x0  }
0x6b: {  	[sflag:s18] =	ssyncadd.s32 $0xFFFFFFB0  }
0x6c: {  	[tilespmem:s17], [sflag:$0x1] =	stream.indirect.gather [hbm4b:s2+s20], $0x80, s4, s20, $0xb8;
	[tilespmem:$0x16900] =	vst v63  }
0x6d: {  	_ =	swait.ge [sflag:s21], $0x2800  }
0x6e: {  	[sflag:s21] =	ssyncset.done $0x0  }
0x6f: {  	[sflag:s21] =	ssyncadd.s32 $0xFFFFD800  }
0x70: {  	[spmem:s3] =	stream.indirect.scatter.add.f32 [tilespmem:s17], [sflag:$0x2], $0x80, s19, s20, $0xb8;
	[tilespmem:$0x16900] =	vst v63  }
0x71: {  	_ =	swait.ge [sflag:s18], $0x2800  }
0x72: {  	s30 =	sshll.u32 s1, $0x6;
	s22 =	sadd.s32 $0x1, s22;
	[sflag:s18] =	ssyncset.done $0x0  }
0x73: {  	s31 =	sshrl.u32 s5, $0x3;
	p0 =	sne.s32 s22, s13;
	[sflag:s18] =	ssyncadd.s32 $0xFFFFD800  }
.Ltmp2:
0x74: {  	s23 =	sor.u32 $0x1C02, s30;
	[bflag:$0x0] =	sbarrier.arrive $0xFFFF;
	(pc) =	sbr.rel @p0 .LBB2_1-.Ltmp2, $4  }
0x75: {  	[hbm:s14], [sflag:s23] =	dma.local [spmem:s31], $0x2800  }
0x76: {  	_ =	swait.ge [sflag:s18], $0x2800  }
0x77: {  	[sflag:s18] =	ssyncset.done $0x0  }
0x78: {  	[sflag:s18] =	ssyncadd.s32 $0xFFFFD800  }
0x79: {  	_ =	sfence.sel $0x180000  }
0x7a: {  	[bflag:$0x0] =	sbarrier.arrive $0xFFFF  }
0x7b: {  	p0 =	sne.s32 s1, $0x0;
	_ =	strace $0x9000004A  }
0x7c: {  	s0 =	sadd.s32 @!p0 $0x100000, s0;
	[bflag:$0x2] =	sbarrier.arrive $0xFFFF  }
0x7d: {  	[sflag:s0] =	ssyncadd.tile.s32 @!p0 $0x1;
	_ =	shalt  }
.Lfunc_end2:
_tile_overlayer_lowered:
.L_overlay_start_2:
0x7e: {  	(tag) =	ssettag $0x2  }
0x7f: {  	s0 =	rddreg [dreg:$0x0];
	s2 =	stileid.u32  }
0x80: {  	s1 =	rddreg [dreg:$0x1];
	p0 =	sne.s32 s2, $0x0  }
0x81: {  	s3 =	rddreg [dreg:$0x2];
	[bflag:$0x3] =	sbarrier.arrive $0xFFFF;
	s2 =	simm.s32 @!p0 $0x1C02  }
0x82: {  	[timem:s3], [sflag:s2] =	dma.local @!p0 [hbm:s0], s1  }
0x83: {  	s0 =	simm.s32 @!p0 $0x2  }
0x84: {  	_ =	swait.ge @!p0 [sflag:s0], s1  }
0x85: {  	s1 =	ssub.s32 @!p0 $0x0, s1;
	[sflag:s0] =	ssyncset.done @!p0 $0x0  }
0x86: {  	[sflag:s0] =	ssyncadd.s32 @!p0 s1  }
0x87: {  	[bflag:$0x3] =	sbarrier.arrive $0xFFFF  }
0x88: {  	_ =	shalt  }

// kernel: kernel.16.cloned.1.call-start
scs
__scs_entry_jumppad:
0x0: {  	(pc) =	sbr.rel $0x88, $3  }
0x1: {  	(tag) =	ssettag $0x0;
	lr =	simm.s32 $0x1  }
0x2: {  	[smem:$0x3F9D] =	sst lr;
	_ =	strace $0xD0000000  }
0x3: {  	_ = 	snop  }
0x4: {  	_ = 	snop  }
0x5: {  	_ = 	snop  }
0x6: {  	_ = 	snop  }
0x7: {  	_ = 	snop  }
__scs_overlays_trampoline_lowered:
0x8: {  	[smem:$0x3FAC] =	sst s0  }
0x9: {  	[smem:$0x3FAD] =	sst s1  }
0xa: {  	[smem:$0x3FAE] =	sst s2  }
0xb: {  	[smem:$0x3FAF] =	sst s3  }
0xc: {  	[smem:$0x3FB0] =	sst s4  }
0xd: {  	[smem:$0x3FB1] =	sst s5  }
0xe: {  	[smem:$0x3FB2] =	sst s6  }
0xf: {  	[smem:$0x3FB3] =	sst s7  }
0x10: {  	[smem:$0x3FB4] =	sst s8  }
0x11: {  	[smem:$0x3FB5] =	sst s9;
	s0 =	simm.s32 @!p0 $0x0  }
0x12: {  	s1 =	sld [smem:$0x3F9B];
	s0 =	simm.s32 @p0 $0x1  }
0x13: {  	[smem:$0x3FB6] =	sst s0;
	s0 =	simm.s32 @!p1 $0x0  }
0x14: {  	s2 =	sld [smem:$0x3F9A];
	s0 =	simm.s32 @p1 $0x1  }
0x15: {  	[smem:$0x3FB7] =	sst s0;
	s0 =	simm.s32 @!p2 $0x0  }
0x16: {  	s3 =	sld [smem:$0x3FDB];
	s0 =	simm.s32 @p2 $0x1  }
0x17: {  	s4 =	simm.s32 $0x1BF5;
	[smem:$0x3FB9] =	sst s0  }
0x18: {  	s0 =	sld [smem:$0x3F9C];
	_ =	swait.ge [sflag:s4], $0x0  }
0x19: {  	s7 =	sld [smem:$0x3F9D]  }
0x1a: {  	s8 =	sadd.s32 $0xFFFFE003, lr  }
0x1b: {  	s9 =	sadd.s32 $0xFFFFFEF7, lr;
	s5 =	simm.s32 $0xFFFFFFFF;
	p2 =	slt.u32 s8, $0xFFFFF086  }
0x1c: {  	p1 =	slt.u32 s9, $0xF7A;
	s5 =	simm.s32 @!p2 $0x0  }
0x1d: {  	s5 =	simm.s32 @p1 $0x1;
	p0 =	seq.s32 s7, s2  }
0x1e: {  	s7 =	smul.u32 @!p0 $0xF7A, s2;
	p2 =	seq.s32 @!p0 s5, $0x0  }
0x1f: {  	s9 =	smul.u32 $0xF7A, s1;
	s8 =	simm.s32 @!p0 $0x1BF5;
	p2 =	por !p2, p0  }
0x20: {  	[sflag:s8] =	ssyncset.s32 @!p0 $0xFFFFF086;
	s6 =	sadd.s32 @!p0 s3, s7;
	s7 =	simm.s32 @!p0 $0x108  }
0x21: {  	s3 =	sadd.s32 s3, s9;
	s6 =	sadd.s32 @!p0 $0x88, s6;
	s7 =	simm.s32 @p2 $0x1082  }
0x22: {  	[simem:s7], [sflag:s8] =	dma.local @!p0 [hbm:s6], $0xF7A  }
0x23: {  	s9 =	sor.u32 $0xD0000000, s2;
	s6 =	simm.s32 $0x108;
	_ =	swait.ge @!p0 [sflag:s8], $0x0  }
0x24: {  	s3 =	sadd.s32 $0x88, s3;
	s6 =	simm.s32 @!p1 $0x1082;
	[sflag:s4] =	ssyncset.s32 $0xFFFFF086  }
0x25: {  	[simem:s6], [sflag:s4] =	dma.local [hbm:s3], $0xF7A  }
0x26: {  	[smem:$0x3F9D] =	sst s1;
	(tag) =	ssettag s2;
	_ =	strace s9  }
0x27: {  	s1 =	sld [smem:$0x3FAD]  }
0x28: {  	s2 =	sld [smem:$0x3FAE]  }
0x29: {  	s4 =	sld [smem:$0x3FB0]  }
0x2a: {  	p0 =	seq.s32 s5, $0x0;
	s5 =	sld [smem:$0x3FB1]  }
0x2b: {  	s6 =	sld [smem:$0x3FB2]  }
0x2c: {  	s7 =	sld [smem:$0x3FB3]  }
0x2d: {  	s3 =	simm.s32 $0x108;
	s8 =	sld [smem:$0x3FB4]  }
0x2e: {  	s3 =	simm.s32 @!p0 $0x1082;
	s9 =	sld [smem:$0x3FB5]  }
0x2f: {  	lr =	sadd.s32 s0, s3;
	s0 =	sld [smem:$0x3FAC]  }
0x30: {  	s3 =	sld [smem:$0x3FAF]  }
0x31: {  	[smem:$0x3FB8] =	sst s10  }
0x32: {  	s10 =	sld [smem:$0x3FB6];
	_ =	sdelay $0x3  }
0x33: {  	p0 =	seq.s32 s10, $0x1;
	s10 =	sld [smem:$0x3FB8];
	_ =	sdelay $0x3  }
0x34: {  	[smem:$0x3FB8] =	sst s10  }
0x35: {  	s10 =	sld [smem:$0x3FB7];
	_ =	sdelay $0x3  }
0x36: {  	p1 =	seq.s32 s10, $0x1;
	s10 =	sld [smem:$0x3FB8];
	_ =	sdelay $0x3  }
0x37: {  	[smem:$0x3FB8] =	sst s10  }
0x38: {  	s10 =	sld [smem:$0x3FB9]  }
0x39: {  	_ = 	snop;
	(pc) =	sbr.ind lr, $3  }
0x3a: {  	_ = 	snop  }
0x3b: {  	_ = 	snop  }
0x3c: {  	p2 =	seq.s32 s10, $0x1;
	s10 =	sld [smem:$0x3FB8]  }
0x3d: {  	_ =	shalt  }
0x3e: {  	_ =	shalt  }
0x3f: {  	_ =	shalt  }
0x40: {  	_ =	shalt  }
0x41: {  	_ =	shalt  }
0x42: {  	_ =	shalt  }
0x43: {  	_ =	shalt  }
0x44: {  	_ =	shalt  }
0x45: {  	_ =	shalt  }
0x46: {  	_ =	shalt  }
0x47: {  	_ =	shalt  }
0x48: {  	_ =	shalt  }
0x49: {  	_ =	shalt  }
0x4a: {  	_ =	shalt  }
0x4b: {  	_ =	shalt  }
0x4c: {  	_ =	shalt  }
0x4d: {  	_ =	shalt  }
0x4e: {  	_ =	shalt  }
0x4f: {  	_ =	shalt  }
0x50: {  	_ =	shalt  }
0x51: {  	_ =	shalt  }
0x52: {  	_ =	shalt  }
0x53: {  	_ =	shalt  }
0x54: {  	_ =	shalt  }
0x55: {  	_ =	shalt  }
0x56: {  	_ =	shalt  }
0x57: {  	_ =	shalt  }
0x58: {  	_ =	shalt  }
0x59: {  	_ =	shalt  }
0x5a: {  	_ =	shalt  }
0x5b: {  	_ =	shalt  }
0x5c: {  	_ =	shalt  }
0x5d: {  	_ =	shalt  }
0x5e: {  	_ =	shalt  }
0x5f: {  	_ =	shalt  }
0x60: {  	_ =	shalt  }
0x61: {  	_ =	shalt  }
0x62: {  	_ =	shalt  }
0x63: {  	_ =	shalt  }
0x64: {  	_ =	shalt  }
0x65: {  	_ =	shalt  }
0x66: {  	_ =	shalt  }
0x67: {  	_ =	shalt  }
0x68: {  	_ =	shalt  }
0x69: {  	_ =	shalt  }
0x6a: {  	_ =	shalt  }
0x6b: {  	_ =	shalt  }
0x6c: {  	_ =	shalt  }
0x6d: {  	_ =	shalt  }
0x6e: {  	_ =	shalt  }
0x6f: {  	_ =	shalt  }
0x70: {  	_ =	shalt  }
0x71: {  	_ =	shalt  }
0x72: {  	_ =	shalt  }
0x73: {  	_ =	shalt  }
0x74: {  	_ =	shalt  }
0x75: {  	_ =	shalt  }
0x76: {  	_ =	shalt  }
0x77: {  	_ =	shalt  }
0x78: {  	_ =	shalt  }
0x79: {  	_ =	shalt  }
0x7a: {  	_ =	shalt  }
0x7b: {  	_ =	shalt  }
0x7c: {  	_ =	shalt  }
0x7d: {  	_ =	shalt  }
0x7e: {  	_ =	shalt  }
0x7f: {  	_ =	shalt  }
0x80: {  	_ =	shalt  }
0x81: {  	_ =	shalt  }
0x82: {  	_ =	shalt  }
0x83: {  	_ =	shalt  }
0x84: {  	_ =	shalt  }
0x85: {  	_ =	shalt  }
0x86: {  	_ =	shalt  }
0x87: {  	_ =	shalt  }
.Lfunc_end0:
.L_simem_size_0:
called_computation.2_lowered:
.L_overlay_start_0:
0x88: {  	s2 =	sld [smem:$0x3FD9]  }
0x89: {  	s3 =	sld [smem:$0x3FFE];
	_ =	sdelay $0x1  }
0x8a: {  	s1 =	srdreg.scid  }
0x8b: {  	s0 =	sand.u32 $0x1, s1  }
0x8c: {  	s17 =	sshll.u32 s0, $0xA;
	s2 =	sadd.s32 s3, s2  }
0x8d: {  	s2 =	sadd.s32 s2, s17  }
0x8e: {  	[smem:$0x3FC4] =	sst s2  }
0x8f: {  	_ = 	snop  }
0x90: {  	s2 =	sld [smem:$0x3FD0];
	(tm) =	ssettm $0x1  }
0x91: {  	s18 =	sld [smem:$0x3FFB];
	_ =	sdelay $0x3  }
0x92: {  	_ =	strace s18  }
0x93: {  	s3 =	sld [smem:$0x3FFC];
	_ =	sdelay $0x3  }
0x94: {  	_ =	strace s3  }
0x95: {  	s3 =	sld [smem:$0x3FFD];
	_ =	sdelay $0x3  }
0x96: {  	_ =	strace s3  }
0x97: {  	_ =	strace $0x8FFFFFFF  }
0x98: {  	s19 =	sld [smem:$0x3FDB];
	_ =	sdelay $0x1  }
0x99: {  	s4 =	simm.s32 $_scs_section_size  }
0x9a: {  	s5 =	simm.s32 $_size__tile_overlayer_lowered;
	s6 =	simm.s32 $_tile_overlayer_lowered  }
0x9b: {  	s22 =	simm.s32 $0x1BFF;
	s21 =	sshll.u32 s6, $0x1;
	s3 =	sadd.s32 s4, s19  }
0x9c: {  	s7 =	simm.s32 $0x0;
	s20 =	sshll.u32 s5, $0x1;
	s5 =	sadd.s32 s21, s3  }
0x9d: {  	[timem:s7], [sflag:s22] =	dma.local [hbm:s5], s20  }
0x9e: {  	_ =	swait.ge [sflag:s22], s20  }
0x9f: {  	s4 =	ssub.s32 $0x0, s20;
	[sflag:s22] =	ssyncset.done $0x0  }
0xa0: {  	[sflag:s22] =	ssyncadd.s32 s4;
	_ =	sdelay $0x1  }
0xa1: {  	s23 =	simm.s32 $0x1B8B  }
0xa2: {  	_ =	swait.ge [sflag:s23], $0x1  }
0xa3: {  	[sflag:s23] =	ssyncset.done $0x0  }
0xa4: {  	s25 =	simm.s32 $0x1B8E;
	s24 =	sld [smem:$0x3FFE];
	[sflag:s23] =	ssyncadd.s32 $0xFFFFFFFF  }
0xa5: {  	s26 =	simm.s32 $execute0_lowered;
	[smem:$0x3FD2] =	sst s25  }
0xa6: {  	s5 =	sshll.u32 s26, $0x1;
	_ =	strace $0x8000004C;
	[dreg:$0x1] =	wrdreg $0xFFFFFFFF  }
0xa7: {  	s28 =	simm.s32 $_size_execute0_lowered;
	s3 =	sadd.s32 s3, s5;
	[dreg:$0x0] =	wrdreg $0x0  }
0xa8: {  	s5 =	sshll.u32 s28, $0x1;
	[dreg:$0x2] =	wrdreg s3  }
0xa9: {  	[dreg:$0x3] =	wrdreg s5  }
0xaa: {  	[dreg:$0x4] =	wrdreg $0xC0  }
0xab: {  	_ =	task [dreg:s7], $0x5FFFF  }
0xac: {  	[dreg:$0x1] =	wrdreg $0xFFFFFFFF  }
0xad: {  	[dreg:$0x0] =	wrdreg $0x60  }
0xae: {  	[dreg:$0x2] =	wrdreg s24  }
0xaf: {  	[dreg:$0x3] =	wrdreg s2  }
0xb0: {  	[dreg:$0x4] =	wrdreg $0x29000  }
0xb1: {  	[dreg:$0x5] =	wrdreg $0x9  }
0xb2: {  	_ =	task.clear_ibuf [dreg:s7], $0x6FFFF;
	_ =	strace $0x9000004C  }
0xb3: {  	s29 =	simm.s32 $0x9;
	_ =	strace $0x8000004E  }
0xb4: {  	_ =	swait.ge [sflag:s29], $0x1  }
0xb5: {  	[sflag:s29] =	ssyncadd.s32 $0xFFFFFFFF  }
0xb6: {  	_ =	strace $0x9000004E  }
0xb7: {  	_ =	sfence  }
0xb8: {  	s30 =	sld [smem:$0x0];
	_ =	sdelay $0x2  }
0xb9: {  	s31 =	sshll.u32 s1, $0xD;
	s1 =	sshrl.u32 s1, $0x2  }
0xba: {  	s3 =	sand.u32 $0x4000, s31;
	s1 =	sadd.s32 s1, s30  }
0xbb: {  	s0 =	sor.u32 s3, s0;
	s1 =	sshll.u32 s1, $0x11  }
0xbc: {  	s0 =	sor.u32 s1, s0  }
0xbd: {  	s0 =	sadd.s32 $0x8F2B, s0  }
0xbe: {  	[sflag:s0] =	ssyncadd.remote.s32 $0x1  }
0xbf: {  	_ =	sfence.sel $0xFFFF  }
0xc0: {  	[dreg:$0x0] =	wrdreg $0xFFFFFFFF;
	(pc) =	sbr.abs _section_cstart, $3  }
0xc1: {  	[dreg:$0x1] =	wrdreg $0xFFFFFFFF  }
0xc2: {  	_ =	task.clear_ibuf [dreg:s7], $0x2FFFF;
	_ =	strace $0x9FFFFFFF  }
0xc3: {  	(tm) =	ssettm $0x7FFFFFFF  }
tec
execute0_lowered:
.L_overlay_start_1:
0x0: {  	(tag) =	ssettag $0x1  }
0x1: {  	s14 =	rddreg [dreg:$0x0]  }
0x2: {  	s2 =	rddreg [dreg:$0x1]  }
0x3: {  	s0 =	srdreg.scid;
	s3 =	rddreg [dreg:$0x2]  }
0x4: {  	s1 =	stileid.u32;
	s4 =	simm.s32 $0x0;
	s15 =	simm.s32 $0x67A00  }
0x5: {  	s18 =	simm.s32 $0x2;
	s19 =	simm.s32 $0x80;
	s6 =	smul.u32 $0x2710, s1  }
0x6: {  	s20 =	simm.s32 $0x50;
	s21 =	simm.s32 $0x1;
	s7 =	smul.u32 $0x50000, s1  }
0x7: {  	s11 =	sand.u32 $0x1, s0;
	s0 =	rddreg [dreg:$0x3];
	s17 =	smul.u32 $0x2800, s1  }
0x8: {  	s22 =	simm.s32 $0x0;
	[smem:$0x7FF] =	sst s4;
	s5 =	smul.u32 $0x27100, s11  }
0x9: {  	_ =	strace $0x8000004D;
	s31 =	ssub.s32 $0x2, s11;
	p0 =	seq.s32 s11, $0x1  }
0xa: {  	s7 =	sshrl.u32 s7, $0x2;
	s9 =	sshrl.u32 s31, $0x1;
	s5 =	sadd.s32 s6, s5  }
0xb: {  	s15 =	simm.s32 @!p0 $0x3FA00;
	s13 =	ssub.s32 s31, s9;
	s8 =	sshrl.u32 s5, $0x3  }
0xc: {  	s5 =	sadd.s32 s7, s3;
	s13 =	smax.u32 s13, $0x1;
	s16 =	sadd.s32 s8, s14  }
0xd: {  	s6 =	sadd.s32 $0x2800, s5;
	s7 =	sadd.s32 $0x5000, s5;
	s8 =	sadd.s32 $0x7800, s5  }
0xe: {  	s9 =	sadd.s32 $0xA000, s5;
	s10 =	sadd.s32 $0xC800, s5;
	s14 =	sadd.s32 s15, s14  }
0xf: {  	s11 =	sadd.s32 $0xF000, s5;
	s12 =	sadd.s32 $0x11800, s5;
	s14 =	sadd.s32 s14, s17  }
0x10: {  	v0 =	vimm.f32 $0.0e+00;
	s15 =	sadd.s32 $0x4C00, s16;
	s16 =	sadd.s32 $0xEA00, s16;
	s17 =	simm.s32 $0x100  }
.LBB2_1:
0x11: {  	s23 =	simm.s32 $0x0;
	s24 =	simm.s32 $0x200  }
.LBB2_2:
0x12: {  	p0 =	sne.s32 s24, $0x9E00;
	[tilespmem:s23+$0x170] =	vst v0  }
0x13: {  	[tilespmem:s23+$0x100] =	vst v0  }
0x14: {  	[tilespmem:s23+$0x110] =	vst v0  }
.Ltmp0:
0x15: {  	[tilespmem:s23+$0x120] =	vst v0;
	(pc) =	sbr.rel @p0 .LBB2_2-.Ltmp0, $4  }
0x16: {  	[tilespmem:s23+$0x130] =	vst v0  }
0x17: {  	[tilespmem:s23+$0x140] =	vst v0  }
0x18: {  	[tilespmem:s23+$0x150] =	vst v0  }
0x19: {  	[tilespmem:s23+$0x160] =	vst v0;
	s23 =	sshra.s32 s24, $0x2;
	s24 =	sadd.s32 $0x200, s24  }
0x1a: {  	[tilespmem:s23+$0x170] =	vst v0  }
0x1b: {  	[tilespmem:s23+$0x100] =	vst v0  }
0x1c: {  	[tilespmem:s23+$0x110] =	vst v0  }
0x1d: {  	[tilespmem:s23+$0x120] =	vst v0  }
0x1e: {  	[tilespmem:s23+$0x130] =	vst v0  }
0x1f: {  	[tilespmem:s23+$0x140] =	vst v0  }
0x20: {  	[tilespmem:s23+$0x150] =	vst v0  }
0x21: {  	[tilespmem:s23+$0x160] =	vst v0  }
0x22: {  	[spmem:s5] =	stream.linear.scatter [tilespmem:s17], [sflag:$0x2], $0x2800, $0x38;
	[tilespmem:$0x16900] =	vst v63  }
0x23: {  	_ =	swait.ge [sflag:s18], $0x2800  }
0x24: {  	[sflag:s18] =	ssyncset.done $0x0  }
0x25: {  	[sflag:s18] =	ssyncadd.s32 $0xFFFFD800  }
0x26: {  	[spmem:s6] =	stream.linear.scatter [tilespmem:s17], [sflag:$0x2], $0x2800, $0x38;
	[tilespmem:$0x16900] =	vst v63  }
0x27: {  	_ =	swait.ge [sflag:s18], $0x2800  }
0x28: {  	[sflag:s18] =	ssyncset.done $0x0  }
0x29: {  	[sflag:s18] =	ssyncadd.s32 $0xFFFFD800  }
0x2a: {  	[spmem:s7] =	stream.linear.scatter [tilespmem:s17], [sflag:$0x2], $0x2800, $0x38;
	[tilespmem:$0x16900] =	vst v63  }
0x2b: {  	_ =	swait.ge [sflag:s18], $0x2800  }
0x2c: {  	[sflag:s18] =	ssyncset.done $0x0  }
0x2d: {  	[sflag:s18] =	ssyncadd.s32 $0xFFFFD800  }
0x2e: {  	[spmem:s8] =	stream.linear.scatter [tilespmem:s17], [sflag:$0x2], $0x2800, $0x38;
	[tilespmem:$0x16900] =	vst v63  }
0x2f: {  	_ =	swait.ge [sflag:s18], $0x2800  }
0x30: {  	[sflag:s18] =	ssyncset.done $0x0  }
0x31: {  	[sflag:s18] =	ssyncadd.s32 $0xFFFFD800  }
0x32: {  	[spmem:s9] =	stream.linear.scatter [tilespmem:s17], [sflag:$0x2], $0x2800, $0x38;
	[tilespmem:$0x16900] =	vst v63  }
0x33: {  	_ =	swait.ge [sflag:s18], $0x2800  }
0x34: {  	[sflag:s18] =	ssyncset.done $0x0  }
0x35: {  	[sflag:s18] =	ssyncadd.s32 $0xFFFFD800  }
0x36: {  	[spmem:s10] =	stream.linear.scatter [tilespmem:s17], [sflag:$0x2], $0x2800, $0x38;
	[tilespmem:$0x16900] =	vst v63  }
0x37: {  	_ =	swait.ge [sflag:s18], $0x2800  }
0x38: {  	[sflag:s18] =	ssyncset.done $0x0  }
0x39: {  	[sflag:s18] =	ssyncadd.s32 $0xFFFFD800  }
0x3a: {  	[spmem:s11] =	stream.linear.scatter [tilespmem:s17], [sflag:$0x2], $0x2800, $0x38;
	[tilespmem:$0x16900] =	vst v63  }
0x3b: {  	_ =	swait.ge [sflag:s18], $0x2800  }
0x3c: {  	[sflag:s18] =	ssyncset.done $0x0  }
0x3d: {  	[sflag:s18] =	ssyncadd.s32 $0xFFFFD800  }
0x3e: {  	[spmem:s12] =	stream.linear.scatter [tilespmem:s17], [sflag:$0x2], $0x2800, $0x38;
	[tilespmem:$0x16900] =	vst v63  }
0x3f: {  	_ =	swait.ge [sflag:s18], $0x2800  }
0x40: {  	[sflag:s18] =	ssyncset.done $0x0  }
0x41: {  	[sflag:s18] =	ssyncadd.s32 $0xFFFFD800  }
0x42: {  	s30 =	sadd.s32 $0x0, s16;
	[bflag:$0x0] =	sbarrier.arrive $0xFFFF  }
0x43: {  	[tilespmem:s4], [sflag:$0x2] =	stream.linear.gather [hbm4b:s30+s4], $0x50, $0x38;
	[tilespmem:$0x16900] =	vst v63  }
0x44: {  	_ =	swait.ge [sflag:s18], $0x50  }
0x45: {  	[sflag:s18] =	ssyncset.done $0x0  }
0x46: {  	s31 =	sadd.s32 $0x0, s15;
	[sflag:s18] =	ssyncadd.s32 $0xFFFFFFB0  }
0x47: {  	[tilespmem:s19], [sflag:$0x2] =	stream.linear.gather [hbm4b:s31+s4], $0x50, $0x38;
	[tilespmem:$0x16900] =	vst v63  }
0x48: {  	_ =	swait.ge [sflag:s18], $0x50  }
0x49: {  	[sflag:s18] =	ssyncset.done $0x0  }
0x4a: {  	[sflag:s18] =	ssyncadd.s32 $0xFFFFFFB0  }
0x4b: {  	[tilespmem:s17], [sflag:$0x1] =	stream.indirect.gather [hbm4b:s2+s20], $0x80, s4, s20, $0xb8;
	[tilespmem:$0x16900] =	vst v63  }
0x4c: {  	_ =	swait.ge [sflag:s21], $0x2800  }
0x4d: {  	[sflag:s21] =	ssyncset.done $0x0  }
0x4e: {  	[sflag:s21] =	ssyncadd.s32 $0xFFFFD800  }
0x4f: {  	[spmem:s3] =	stream.indirect.scatter.add.f32 [tilespmem:s17], [sflag:$0x2], $0x80, s19, s20, $0xb8;
	[tilespmem:$0x16900] =	vst v63  }
0x50: {  	_ =	swait.ge [sflag:s18], $0x2800  }
0x51: {  	s23 =	simm.s32 $0xA;
	s24 =	simm.s32 $0x14;
	[sflag:s18] =	ssyncset.done $0x0  }
.LBB2_4:
0x52: {  	s25 =	sadd.s32 s23, s16  }
0x53: {  	[sflag:s18] =	ssyncadd.s32 $0xFFFFD800;
	s26 =	smov.u32 s24;
	s28 =	sadd.s32 $0xA, s24  }
0x54: {  	[tilespmem:s4], [sflag:$0x2] =	stream.linear.gather [hbm4b:s25+s4], $0x50, $0x38;
	[tilespmem:$0x16900] =	vst v63  }
0x55: {  	p0 =	sne.s32 s24, $0x4D8;
	_ =	swait.ge [sflag:s18], $0x50  }
0x56: {  	[sflag:s18] =	ssyncset.done $0x0  }
0x57: {  	s24 =	sadd.s32 s23, s15;
	s23 =	smov.u32 s26;
	[sflag:s18] =	ssyncadd.s32 $0xFFFFFFB0  }
0x58: {  	[tilespmem:s19], [sflag:$0x2] =	stream.linear.gather [hbm4b:s24+s4], $0x50, $0x38;
	[tilespmem:$0x16900] =	vst v63  }
0x59: {  	_ =	swait.ge [sflag:s18], $0x50  }
0x5a: {  	[sflag:s18] =	ssyncset.done $0x0  }
0x5b: {  	[sflag:s18] =	ssyncadd.s32 $0xFFFFFFB0  }
0x5c: {  	[tilespmem:s17], [sflag:$0x1] =	stream.indirect.gather [hbm4b:s2+s20], $0x80, s4, s20, $0xb8;
	[tilespmem:$0x16900] =	vst v63  }
0x5d: {  	_ =	swait.ge [sflag:s21], $0x2800  }
.Ltmp1:
0x5e: {  	[sflag:s21] =	ssyncset.done $0x0;
	(pc) =	sbr.rel @p0 .LBB2_4-.Ltmp1, $4  }
0x5f: {  	[sflag:s21] =	ssyncadd.s32 $0xFFFFD800  }
0x60: {  	[spmem:s3] =	stream.indirect.scatter.add.f32 [tilespmem:s17], [sflag:$0x2], $0x80, s19, s20, $0xb8;
	[tilespmem:$0x16900] =	vst v63  }
0x61: {  	_ =	swait.ge [sflag:s18], $0x2800  }
0x62: {  	s24 =	smov.u32 s28;
	[sflag:s18] =	ssyncset.done $0x0  }
0x63: {  	s24 =	sadd.s32 s23, s16;
	[sflag:s18] =	ssyncadd.s32 $0xFFFFD800  }
0x64: {  	[tilespmem:s4], [sflag:$0x2] =	stream.linear.gather [hbm4b:s24+s4], $0x50, $0x38;
	[tilespmem:$0x16900] =	vst v63  }
0x65: {  	_ =	swait.ge [sflag:s18], $0x50  }
0x66: {  	[sflag:s18] =	ssyncset.done $0x0  }
0x67: {  	s29 =	sadd.s32 s23, s15;
	[sflag:s18] =	ssyncadd.s32 $0xFFFFFFB0  }
0x68: {  	[tilespmem:s19], [sflag:$0x2] =	stream.linear.gather [hbm4b:s29+s4], $0x50, $0x38;
	[tilespmem:$0x16900] =	vst v63  }
0x69: {  	_ =	swait.ge [sflag:s18], $0x50  }
0x6a: {  	[sflag:s18] =	ssyncset.done $0x0  }
0x6b: {  	[sflag:s18] =	ssyncadd.s32 $0xFFFFFFB0  }
0x6c: {  	[tilespmem:s17], [sflag:$0x1] =	stream.indirect.gather [hbm4b:s2+s20], $0x80, s4, s20, $0xb8;
	[tilespmem:$0x16900] =	vst v63  }
0x6d: {  	_ =	swait.ge [sflag:s21], $0x2800  }
0x6e: {  	[sflag:s21] =	ssyncset.done $0x0  }
0x6f: {  	[sflag:s21] =	ssyncadd.s32 $0xFFFFD800  }
0x70: {  	[spmem:s3] =	stream.indirect.scatter.add.f32 [tilespmem:s17], [sflag:$0x2], $0x80, s19, s20, $0xb8;
	[tilespmem:$0x16900] =	vst v63  }
0x71: {  	_ =	swait.ge [sflag:s18], $0x2800  }
0x72: {  	s30 =	sshll.u32 s1, $0x6;
	s22 =	sadd.s32 $0x1, s22;
	[sflag:s18] =	ssyncset.done $0x0  }
0x73: {  	s31 =	sshrl.u32 s5, $0x3;
	p0 =	sne.s32 s22, s13;
	[sflag:s18] =	ssyncadd.s32 $0xFFFFD800  }
.Ltmp2:
0x74: {  	s23 =	sor.u32 $0x1C02, s30;
	[bflag:$0x0] =	sbarrier.arrive $0xFFFF;
	(pc) =	sbr.rel @p0 .LBB2_1-.Ltmp2, $4  }
0x75: {  	[hbm:s14], [sflag:s23] =	dma.local [spmem:s31], $0x2800  }
0x76: {  	_ =	swait.ge [sflag:s18], $0x2800  }
0x77: {  	[sflag:s18] =	ssyncset.done $0x0  }
0x78: {  	[sflag:s18] =	ssyncadd.s32 $0xFFFFD800  }
0x79: {  	_ =	sfence.sel $0x180000  }
0x7a: {  	[bflag:$0x0] =	sbarrier.arrive $0xFFFF  }
0x7b: {  	p0 =	sne.s32 s1, $0x0;
	_ =	strace $0x9000004D  }
0x7c: {  	s0 =	sadd.s32 @!p0 $0x100000, s0;
	[bflag:$0x2] =	sbarrier.arrive $0xFFFF  }
0x7d: {  	[sflag:s0] =	ssyncadd.tile.s32 @!p0 $0x1;
	_ =	shalt  }
.Lfunc_end2:
_tile_overlayer_lowered:
.L_overlay_start_2:
0x7e: {  	(tag) =	ssettag $0x2  }
0x7f: {  	s0 =	rddreg [dreg:$0x0];
	s2 =	stileid.u32  }
0x80: {  	s1 =	rddreg [dreg:$0x1];
	p0 =	sne.s32 s2, $0x0  }
0x81: {  	s3 =	rddreg [dreg:$0x2];
	[bflag:$0x3] =	sbarrier.arrive $0xFFFF;
	s2 =	simm.s32 @!p0 $0x1C02  }
0x82: {  	[timem:s3], [sflag:s2] =	dma.local @!p0 [hbm:s0], s1  }
0x83: {  	s0 =	simm.s32 @!p0 $0x2  }
0x84: {  	_ =	swait.ge @!p0 [sflag:s0], s1  }
0x85: {  	s1 =	ssub.s32 @!p0 $0x0, s1;
	[sflag:s0] =	ssyncset.done @!p0 $0x0  }
0x86: {  	[sflag:s0] =	ssyncadd.s32 @!p0 s1  }
0x87: {  	[bflag:$0x3] =	sbarrier.arrive $0xFFFF  }
0x88: {  	_ =	shalt  }

// kernel: kernel.19.cloned.1.call-start
scs
__scs_entry_jumppad:
0x0: {  	(pc) =	sbr.rel $0x88, $3  }
0x1: {  	(tag) =	ssettag $0x0;
	lr =	simm.s32 $0x1  }
0x2: {  	[smem:$0x3F9D] =	sst lr;
	_ =	strace $0xD0000000  }
0x3: {  	_ = 	snop  }
0x4: {  	_ = 	snop  }
0x5: {  	_ = 	snop  }
0x6: {  	_ = 	snop  }
0x7: {  	_ = 	snop  }
__scs_overlays_trampoline_lowered:
0x8: {  	[smem:$0x3FAC] =	sst s0  }
0x9: {  	[smem:$0x3FAD] =	sst s1  }
0xa: {  	[smem:$0x3FAE] =	sst s2  }
0xb: {  	[smem:$0x3FAF] =	sst s3  }
0xc: {  	[smem:$0x3FB0] =	sst s4  }
0xd: {  	[smem:$0x3FB1] =	sst s5  }
0xe: {  	[smem:$0x3FB2] =	sst s6  }
0xf: {  	[smem:$0x3FB3] =	sst s7  }
0x10: {  	[smem:$0x3FB4] =	sst s8  }
0x11: {  	[smem:$0x3FB5] =	sst s9;
	s0 =	simm.s32 @!p0 $0x0  }
0x12: {  	s1 =	sld [smem:$0x3F9B];
	s0 =	simm.s32 @p0 $0x1  }
0x13: {  	[smem:$0x3FB6] =	sst s0;
	s0 =	simm.s32 @!p1 $0x0  }
0x14: {  	s2 =	sld [smem:$0x3F9A];
	s0 =	simm.s32 @p1 $0x1  }
0x15: {  	[smem:$0x3FB7] =	sst s0;
	s0 =	simm.s32 @!p2 $0x0  }
0x16: {  	s3 =	sld [smem:$0x3FDB];
	s0 =	simm.s32 @p2 $0x1  }
0x17: {  	s4 =	simm.s32 $0x1BF5;
	[smem:$0x3FB9] =	sst s0  }
0x18: {  	s0 =	sld [smem:$0x3F9C];
	_ =	swait.ge [sflag:s4], $0x0  }
0x19: {  	s7 =	sld [smem:$0x3F9D]  }
0x1a: {  	s8 =	sadd.s32 $0xFFFFE003, lr  }
0x1b: {  	s9 =	sadd.s32 $0xFFFFFEF7, lr;
	s5 =	simm.s32 $0xFFFFFFFF;
	p2 =	slt.u32 s8, $0xFFFFF086  }
0x1c: {  	p1 =	slt.u32 s9, $0xF7A;
	s5 =	simm.s32 @!p2 $0x0  }
0x1d: {  	s5 =	simm.s32 @p1 $0x1;
	p0 =	seq.s32 s7, s2  }
0x1e: {  	s7 =	smul.u32 @!p0 $0xF7A, s2;
	p2 =	seq.s32 @!p0 s5, $0x0  }
0x1f: {  	s9 =	smul.u32 $0xF7A, s1;
	s8 =	simm.s32 @!p0 $0x1BF5;
	p2 =	por !p2, p0  }
0x20: {  	[sflag:s8] =	ssyncset.s32 @!p0 $0xFFFFF086;
	s6 =	sadd.s32 @!p0 s3, s7;
	s7 =	simm.s32 @!p0 $0x108  }
0x21: {  	s3 =	sadd.s32 s3, s9;
	s6 =	sadd.s32 @!p0 $0x88, s6;
	s7 =	simm.s32 @p2 $0x1082  }
0x22: {  	[simem:s7], [sflag:s8] =	dma.local @!p0 [hbm:s6], $0xF7A  }
0x23: {  	s9 =	sor.u32 $0xD0000000, s2;
	s6 =	simm.s32 $0x108;
	_ =	swait.ge @!p0 [sflag:s8], $0x0  }
0x24: {  	s3 =	sadd.s32 $0x88, s3;
	s6 =	simm.s32 @!p1 $0x1082;
	[sflag:s4] =	ssyncset.s32 $0xFFFFF086  }
0x25: {  	[simem:s6], [sflag:s4] =	dma.local [hbm:s3], $0xF7A  }
0x26: {  	[smem:$0x3F9D] =	sst s1;
	(tag) =	ssettag s2;
	_ =	strace s9  }
0x27: {  	s1 =	sld [smem:$0x3FAD]  }
0x28: {  	s2 =	sld [smem:$0x3FAE]  }
0x29: {  	s4 =	sld [smem:$0x3FB0]  }
0x2a: {  	p0 =	seq.s32 s5, $0x0;
	s5 =	sld [smem:$0x3FB1]  }
0x2b: {  	s6 =	sld [smem:$0x3FB2]  }
0x2c: {  	s7 =	sld [smem:$0x3FB3]  }
0x2d: {  	s3 =	simm.s32 $0x108;
	s8 =	sld [smem:$0x3FB4]  }
0x2e: {  	s3 =	simm.s32 @!p0 $0x1082;
	s9 =	sld [smem:$0x3FB5]  }
0x2f: {  	lr =	sadd.s32 s0, s3;
	s0 =	sld [smem:$0x3FAC]  }
0x30: {  	s3 =	sld [smem:$0x3FAF]  }
0x31: {  	[smem:$0x3FB8] =	sst s10  }
0x32: {  	s10 =	sld [smem:$0x3FB6];
	_ =	sdelay $0x3  }
0x33: {  	p0 =	seq.s32 s10, $0x1;
	s10 =	sld [smem:$0x3FB8];
	_ =	sdelay $0x3  }
0x34: {  	[smem:$0x3FB8] =	sst s10  }
0x35: {  	s10 =	sld [smem:$0x3FB7];
	_ =	sdelay $0x3  }
0x36: {  	p1 =	seq.s32 s10, $0x1;
	s10 =	sld [smem:$0x3FB8];
	_ =	sdelay $0x3  }
0x37: {  	[smem:$0x3FB8] =	sst s10  }
0x38: {  	s10 =	sld [smem:$0x3FB9]  }
0x39: {  	_ = 	snop;
	(pc) =	sbr.ind lr, $3  }
0x3a: {  	_ = 	snop  }
0x3b: {  	_ = 	snop  }
0x3c: {  	p2 =	seq.s32 s10, $0x1;
	s10 =	sld [smem:$0x3FB8]  }
0x3d: {  	_ =	shalt  }
0x3e: {  	_ =	shalt  }
0x3f: {  	_ =	shalt  }
0x40: {  	_ =	shalt  }
0x41: {  	_ =	shalt  }
0x42: {  	_ =	shalt  }
0x43: {  	_ =	shalt  }
0x44: {  	_ =	shalt  }
0x45: {  	_ =	shalt  }
0x46: {  	_ =	shalt  }
0x47: {  	_ =	shalt  }
0x48: {  	_ =	shalt  }
0x49: {  	_ =	shalt  }
0x4a: {  	_ =	shalt  }
0x4b: {  	_ =	shalt  }
0x4c: {  	_ =	shalt  }
0x4d: {  	_ =	shalt  }
0x4e: {  	_ =	shalt  }
0x4f: {  	_ =	shalt  }
0x50: {  	_ =	shalt  }
0x51: {  	_ =	shalt  }
0x52: {  	_ =	shalt  }
0x53: {  	_ =	shalt  }
0x54: {  	_ =	shalt  }
0x55: {  	_ =	shalt  }
0x56: {  	_ =	shalt  }
0x57: {  	_ =	shalt  }
0x58: {  	_ =	shalt  }
0x59: {  	_ =	shalt  }
0x5a: {  	_ =	shalt  }
0x5b: {  	_ =	shalt  }
0x5c: {  	_ =	shalt  }
0x5d: {  	_ =	shalt  }
0x5e: {  	_ =	shalt  }
0x5f: {  	_ =	shalt  }
0x60: {  	_ =	shalt  }
0x61: {  	_ =	shalt  }
0x62: {  	_ =	shalt  }
0x63: {  	_ =	shalt  }
0x64: {  	_ =	shalt  }
0x65: {  	_ =	shalt  }
0x66: {  	_ =	shalt  }
0x67: {  	_ =	shalt  }
0x68: {  	_ =	shalt  }
0x69: {  	_ =	shalt  }
0x6a: {  	_ =	shalt  }
0x6b: {  	_ =	shalt  }
0x6c: {  	_ =	shalt  }
0x6d: {  	_ =	shalt  }
0x6e: {  	_ =	shalt  }
0x6f: {  	_ =	shalt  }
0x70: {  	_ =	shalt  }
0x71: {  	_ =	shalt  }
0x72: {  	_ =	shalt  }
0x73: {  	_ =	shalt  }
0x74: {  	_ =	shalt  }
0x75: {  	_ =	shalt  }
0x76: {  	_ =	shalt  }
0x77: {  	_ =	shalt  }
0x78: {  	_ =	shalt  }
0x79: {  	_ =	shalt  }
0x7a: {  	_ =	shalt  }
0x7b: {  	_ =	shalt  }
0x7c: {  	_ =	shalt  }
0x7d: {  	_ =	shalt  }
0x7e: {  	_ =	shalt  }
0x7f: {  	_ =	shalt  }
0x80: {  	_ =	shalt  }
0x81: {  	_ =	shalt  }
0x82: {  	_ =	shalt  }
0x83: {  	_ =	shalt  }
0x84: {  	_ =	shalt  }
0x85: {  	_ =	shalt  }
0x86: {  	_ =	shalt  }
0x87: {  	_ =	shalt  }
.Lfunc_end0:
.L_simem_size_0:
called_computation.3_lowered:
.L_overlay_start_0:
0x88: {  	s2 =	sld [smem:$0x3FD9]  }
0x89: {  	s3 =	sld [smem:$0x3FFE];
	_ =	sdelay $0x1  }
0x8a: {  	s1 =	srdreg.scid  }
0x8b: {  	s0 =	sand.u32 $0x1, s1  }
0x8c: {  	s17 =	sshll.u32 s0, $0xA;
	s2 =	sadd.s32 s3, s2  }
0x8d: {  	s2 =	sadd.s32 s2, s17  }
0x8e: {  	[smem:$0x3FC4] =	sst s2  }
0x8f: {  	_ = 	snop  }
0x90: {  	s2 =	sld [smem:$0x3FD0];
	(tm) =	ssettm $0x1  }
0x91: {  	s18 =	sld [smem:$0x3FFB];
	_ =	sdelay $0x3  }
0x92: {  	_ =	strace s18  }
0x93: {  	s3 =	sld [smem:$0x3FFC];
	_ =	sdelay $0x3  }
0x94: {  	_ =	strace s3  }
0x95: {  	s3 =	sld [smem:$0x3FFD];
	_ =	sdelay $0x3  }
0x96: {  	_ =	strace s3  }
0x97: {  	_ =	strace $0x8FFFFFFF  }
0x98: {  	s19 =	sld [smem:$0x3FDB];
	_ =	sdelay $0x1  }
0x99: {  	s4 =	simm.s32 $_scs_section_size  }
0x9a: {  	s5 =	simm.s32 $_size__tile_overlayer_lowered;
	s6 =	simm.s32 $_tile_overlayer_lowered  }
0x9b: {  	s22 =	simm.s32 $0x1BFF;
	s21 =	sshll.u32 s6, $0x1;
	s3 =	sadd.s32 s4, s19  }
0x9c: {  	s7 =	simm.s32 $0x0;
	s20 =	sshll.u32 s5, $0x1;
	s5 =	sadd.s32 s21, s3  }
0x9d: {  	[timem:s7], [sflag:s22] =	dma.local [hbm:s5], s20  }
0x9e: {  	_ =	swait.ge [sflag:s22], s20  }
0x9f: {  	s4 =	ssub.s32 $0x0, s20;
	[sflag:s22] =	ssyncset.done $0x0  }
0xa0: {  	[sflag:s22] =	ssyncadd.s32 s4;
	_ =	sdelay $0x1  }
0xa1: {  	s23 =	simm.s32 $0x1B8B  }
0xa2: {  	_ =	swait.ge [sflag:s23], $0x1  }
0xa3: {  	[sflag:s23] =	ssyncset.done $0x0  }
0xa4: {  	s25 =	simm.s32 $0x1B8E;
	s24 =	sld [smem:$0x3FFE];
	[sflag:s23] =	ssyncadd.s32 $0xFFFFFFFF  }
0xa5: {  	s26 =	simm.s32 $execute0_lowered;
	[smem:$0x3FD2] =	sst s25  }
0xa6: {  	s5 =	sshll.u32 s26, $0x1;
	_ =	strace $0x8000004F;
	[dreg:$0x1] =	wrdreg $0xFFFFFFFF  }
0xa7: {  	s28 =	simm.s32 $_size_execute0_lowered;
	s3 =	sadd.s32 s3, s5;
	[dreg:$0x0] =	wrdreg $0x0  }
0xa8: {  	s5 =	sshll.u32 s28, $0x1;
	[dreg:$0x2] =	wrdreg s3  }
0xa9: {  	[dreg:$0x3] =	wrdreg s5  }
0xaa: {  	[dreg:$0x4] =	wrdreg $0xC0  }
0xab: {  	_ =	task [dreg:s7], $0x5FFFF  }
0xac: {  	[dreg:$0x1] =	wrdreg $0xFFFFFFFF  }
0xad: {  	[dreg:$0x0] =	wrdreg $0x60  }
0xae: {  	[dreg:$0x2] =	wrdreg s24  }
0xaf: {  	[dreg:$0x3] =	wrdreg s2  }
0xb0: {  	[dreg:$0x4] =	wrdreg $0x29000  }
0xb1: {  	[dreg:$0x5] =	wrdreg $0x9  }
0xb2: {  	_ =	task.clear_ibuf [dreg:s7], $0x6FFFF;
	_ =	strace $0x9000004F  }
0xb3: {  	s29 =	simm.s32 $0x9;
	_ =	strace $0x80000051  }
0xb4: {  	_ =	swait.ge [sflag:s29], $0x1  }
0xb5: {  	[sflag:s29] =	ssyncadd.s32 $0xFFFFFFFF  }
0xb6: {  	_ =	strace $0x90000051  }
0xb7: {  	_ =	sfence  }
0xb8: {  	s30 =	sld [smem:$0x0];
	_ =	sdelay $0x2  }
0xb9: {  	s31 =	sshll.u32 s1, $0xD;
	s1 =	sshrl.u32 s1, $0x2  }
0xba: {  	s3 =	sand.u32 $0x4000, s31;
	s1 =	sadd.s32 s1, s30  }
0xbb: {  	s0 =	sor.u32 s3, s0;
	s1 =	sshll.u32 s1, $0x11  }
0xbc: {  	s0 =	sor.u32 s1, s0  }
0xbd: {  	s0 =	sadd.s32 $0x8F2B, s0  }
0xbe: {  	[sflag:s0] =	ssyncadd.remote.s32 $0x1  }
0xbf: {  	_ =	sfence.sel $0xFFFF  }
0xc0: {  	[dreg:$0x0] =	wrdreg $0xFFFFFFFF;
	(pc) =	sbr.abs _section_cstart, $3  }
0xc1: {  	[dreg:$0x1] =	wrdreg $0xFFFFFFFF  }
0xc2: {  	_ =	task.clear_ibuf [dreg:s7], $0x2FFFF;
	_ =	strace $0x9FFFFFFF  }
0xc3: {  	(tm) =	ssettm $0x7FFFFFFF  }
tec
execute0_lowered:
.L_overlay_start_1:
0x0: {  	(tag) =	ssettag $0x1  }
0x1: {  	s14 =	rddreg [dreg:$0x0]  }
0x2: {  	s2 =	rddreg [dreg:$0x1]  }
0x3: {  	s0 =	srdreg.scid;
	s3 =	rddreg [dreg:$0x2]  }
0x4: {  	s1 =	stileid.u32;
	s4 =	simm.s32 $0x0;
	s15 =	simm.s32 $0x67A00  }
0x5: {  	s18 =	simm.s32 $0x2;
	s19 =	simm.s32 $0x80;
	s6 =	smul.u32 $0x2710, s1  }
0x6: {  	s20 =	simm.s32 $0x50;
	s21 =	simm.s32 $0x1;
	s7 =	smul.u32 $0x50000, s1  }
0x7: {  	s11 =	sand.u32 $0x1, s0;
	s0 =	rddreg [dreg:$0x3];
	s17 =	smul.u32 $0x2800, s1  }
0x8: {  	s22 =	simm.s32 $0x0;
	[smem:$0x7FF] =	sst s4;
	s5 =	smul.u32 $0x27100, s11  }
0x9: {  	_ =	strace $0x80000050;
	s31 =	ssub.s32 $0x2, s11;
	p0 =	seq.s32 s11, $0x1  }
0xa: {  	s7 =	sshrl.u32 s7, $0x2;
	s9 =	sshrl.u32 s31, $0x1;
	s5 =	sadd.s32 s6, s5  }
0xb: {  	s15 =	simm.s32 @!p0 $0x3FA00;
	s13 =	ssub.s32 s31, s9;
	s8 =	sshrl.u32 s5, $0x3  }
0xc: {  	s5 =	sadd.s32 s7, s3;
	s13 =	smax.u32 s13, $0x1;
	s16 =	sadd.s32 s8, s14  }
0xd: {  	s6 =	sadd.s32 $0x2800, s5;
	s7 =	sadd.s32 $0x5000, s5;
	s8 =	sadd.s32 $0x7800, s5  }
0xe: {  	s9 =	sadd.s32 $0xA000, s5;
	s10 =	sadd.s32 $0xC800, s5;
	s14 =	sadd.s32 s15, s14  }
0xf: {  	s11 =	sadd.s32 $0xF000, s5;
	s12 =	sadd.s32 $0x11800, s5;
	s14 =	sadd.s32 s14, s17  }
0x10: {  	v0 =	vimm.f32 $0.0e+00;
	s15 =	sadd.s32 $0x4C00, s16;
	s16 =	sadd.s32 $0xEA00, s16;
	s17 =	simm.s32 $0x100  }
.LBB2_1:
0x11: {  	s23 =	simm.s32 $0x0;
	s24 =	simm.s32 $0x200  }
.LBB2_2:
0x12: {  	p0 =	sne.s32 s24, $0x9E00;
	[tilespmem:s23+$0x170] =	vst v0  }
0x13: {  	[tilespmem:s23+$0x100] =	vst v0  }
0x14: {  	[tilespmem:s23+$0x110] =	vst v0  }
.Ltmp0:
0x15: {  	[tilespmem:s23+$0x120] =	vst v0;
	(pc) =	sbr.rel @p0 .LBB2_2-.Ltmp0, $4  }
0x16: {  	[tilespmem:s23+$0x130] =	vst v0  }
0x17: {  	[tilespmem:s23+$0x140] =	vst v0  }
0x18: {  	[tilespmem:s23+$0x150] =	vst v0  }
0x19: {  	[tilespmem:s23+$0x160] =	vst v0;
	s23 =	sshra.s32 s24, $0x2;
	s24 =	sadd.s32 $0x200, s24  }
0x1a: {  	[tilespmem:s23+$0x170] =	vst v0  }
0x1b: {  	[tilespmem:s23+$0x100] =	vst v0  }
0x1c: {  	[tilespmem:s23+$0x110] =	vst v0  }
0x1d: {  	[tilespmem:s23+$0x120] =	vst v0  }
0x1e: {  	[tilespmem:s23+$0x130] =	vst v0  }
0x1f: {  	[tilespmem:s23+$0x140] =	vst v0  }
0x20: {  	[tilespmem:s23+$0x150] =	vst v0  }
0x21: {  	[tilespmem:s23+$0x160] =	vst v0  }
0x22: {  	[spmem:s5] =	stream.linear.scatter [tilespmem:s17], [sflag:$0x2], $0x2800, $0x38;
	[tilespmem:$0x16900] =	vst v63  }
0x23: {  	_ =	swait.ge [sflag:s18], $0x2800  }
0x24: {  	[sflag:s18] =	ssyncset.done $0x0  }
0x25: {  	[sflag:s18] =	ssyncadd.s32 $0xFFFFD800  }
0x26: {  	[spmem:s6] =	stream.linear.scatter [tilespmem:s17], [sflag:$0x2], $0x2800, $0x38;
	[tilespmem:$0x16900] =	vst v63  }
0x27: {  	_ =	swait.ge [sflag:s18], $0x2800  }
0x28: {  	[sflag:s18] =	ssyncset.done $0x0  }
0x29: {  	[sflag:s18] =	ssyncadd.s32 $0xFFFFD800  }
0x2a: {  	[spmem:s7] =	stream.linear.scatter [tilespmem:s17], [sflag:$0x2], $0x2800, $0x38;
	[tilespmem:$0x16900] =	vst v63  }
0x2b: {  	_ =	swait.ge [sflag:s18], $0x2800  }
0x2c: {  	[sflag:s18] =	ssyncset.done $0x0  }
0x2d: {  	[sflag:s18] =	ssyncadd.s32 $0xFFFFD800  }
0x2e: {  	[spmem:s8] =	stream.linear.scatter [tilespmem:s17], [sflag:$0x2], $0x2800, $0x38;
	[tilespmem:$0x16900] =	vst v63  }
0x2f: {  	_ =	swait.ge [sflag:s18], $0x2800  }
0x30: {  	[sflag:s18] =	ssyncset.done $0x0  }
0x31: {  	[sflag:s18] =	ssyncadd.s32 $0xFFFFD800  }
0x32: {  	[spmem:s9] =	stream.linear.scatter [tilespmem:s17], [sflag:$0x2], $0x2800, $0x38;
	[tilespmem:$0x16900] =	vst v63  }
0x33: {  	_ =	swait.ge [sflag:s18], $0x2800  }
0x34: {  	[sflag:s18] =	ssyncset.done $0x0  }
0x35: {  	[sflag:s18] =	ssyncadd.s32 $0xFFFFD800  }
0x36: {  	[spmem:s10] =	stream.linear.scatter [tilespmem:s17], [sflag:$0x2], $0x2800, $0x38;
	[tilespmem:$0x16900] =	vst v63  }
0x37: {  	_ =	swait.ge [sflag:s18], $0x2800  }
0x38: {  	[sflag:s18] =	ssyncset.done $0x0  }
0x39: {  	[sflag:s18] =	ssyncadd.s32 $0xFFFFD800  }
0x3a: {  	[spmem:s11] =	stream.linear.scatter [tilespmem:s17], [sflag:$0x2], $0x2800, $0x38;
	[tilespmem:$0x16900] =	vst v63  }
0x3b: {  	_ =	swait.ge [sflag:s18], $0x2800  }
0x3c: {  	[sflag:s18] =	ssyncset.done $0x0  }
0x3d: {  	[sflag:s18] =	ssyncadd.s32 $0xFFFFD800  }
0x3e: {  	[spmem:s12] =	stream.linear.scatter [tilespmem:s17], [sflag:$0x2], $0x2800, $0x38;
	[tilespmem:$0x16900] =	vst v63  }
0x3f: {  	_ =	swait.ge [sflag:s18], $0x2800  }
0x40: {  	[sflag:s18] =	ssyncset.done $0x0  }
0x41: {  	[sflag:s18] =	ssyncadd.s32 $0xFFFFD800  }
0x42: {  	s30 =	sadd.s32 $0x0, s16;
	[bflag:$0x0] =	sbarrier.arrive $0xFFFF  }
0x43: {  	[tilespmem:s4], [sflag:$0x2] =	stream.linear.gather [hbm4b:s30+s4], $0x50, $0x38;
	[tilespmem:$0x16900] =	vst v63  }
0x44: {  	_ =	swait.ge [sflag:s18], $0x50  }
0x45: {  	[sflag:s18] =	ssyncset.done $0x0  }
0x46: {  	s31 =	sadd.s32 $0x0, s15;
	[sflag:s18] =	ssyncadd.s32 $0xFFFFFFB0  }
0x47: {  	[tilespmem:s19], [sflag:$0x2] =	stream.linear.gather [hbm4b:s31+s4], $0x50, $0x38;
	[tilespmem:$0x16900] =	vst v63  }
0x48: {  	_ =	swait.ge [sflag:s18], $0x50  }
0x49: {  	[sflag:s18] =	ssyncset.done $0x0  }
0x4a: {  	[sflag:s18] =	ssyncadd.s32 $0xFFFFFFB0  }
0x4b: {  	[tilespmem:s17], [sflag:$0x1] =	stream.indirect.gather [hbm4b:s2+s20], $0x80, s4, s20, $0xb8;
	[tilespmem:$0x16900] =	vst v63  }
0x4c: {  	_ =	swait.ge [sflag:s21], $0x2800  }
0x4d: {  	[sflag:s21] =	ssyncset.done $0x0  }
0x4e: {  	[sflag:s21] =	ssyncadd.s32 $0xFFFFD800  }
0x4f: {  	[spmem:s3] =	stream.indirect.scatter.add.f32 [tilespmem:s17], [sflag:$0x2], $0x80, s19, s20, $0xb8;
	[tilespmem:$0x16900] =	vst v63  }
0x50: {  	_ =	swait.ge [sflag:s18], $0x2800  }
0x51: {  	s23 =	simm.s32 $0xA;
	s24 =	simm.s32 $0x14;
	[sflag:s18] =	ssyncset.done $0x0  }
.LBB2_4:
0x52: {  	s25 =	sadd.s32 s23, s16  }
0x53: {  	[sflag:s18] =	ssyncadd.s32 $0xFFFFD800;
	s26 =	smov.u32 s24;
	s28 =	sadd.s32 $0xA, s24  }
0x54: {  	[tilespmem:s4], [sflag:$0x2] =	stream.linear.gather [hbm4b:s25+s4], $0x50, $0x38;
	[tilespmem:$0x16900] =	vst v63  }
0x55: {  	p0 =	sne.s32 s24, $0x4D8;
	_ =	swait.ge [sflag:s18], $0x50  }
0x56: {  	[sflag:s18] =	ssyncset.done $0x0  }
0x57: {  	s24 =	sadd.s32 s23, s15;
	s23 =	smov.u32 s26;
	[sflag:s18] =	ssyncadd.s32 $0xFFFFFFB0  }
0x58: {  	[tilespmem:s19], [sflag:$0x2] =	stream.linear.gather [hbm4b:s24+s4], $0x50, $0x38;
	[tilespmem:$0x16900] =	vst v63  }
0x59: {  	_ =	swait.ge [sflag:s18], $0x50  }
0x5a: {  	[sflag:s18] =	ssyncset.done $0x0  }
0x5b: {  	[sflag:s18] =	ssyncadd.s32 $0xFFFFFFB0  }
0x5c: {  	[tilespmem:s17], [sflag:$0x1] =	stream.indirect.gather [hbm4b:s2+s20], $0x80, s4, s20, $0xb8;
	[tilespmem:$0x16900] =	vst v63  }
0x5d: {  	_ =	swait.ge [sflag:s21], $0x2800  }
.Ltmp1:
0x5e: {  	[sflag:s21] =	ssyncset.done $0x0;
	(pc) =	sbr.rel @p0 .LBB2_4-.Ltmp1, $4  }
0x5f: {  	[sflag:s21] =	ssyncadd.s32 $0xFFFFD800  }
0x60: {  	[spmem:s3] =	stream.indirect.scatter.add.f32 [tilespmem:s17], [sflag:$0x2], $0x80, s19, s20, $0xb8;
	[tilespmem:$0x16900] =	vst v63  }
0x61: {  	_ =	swait.ge [sflag:s18], $0x2800  }
0x62: {  	s24 =	smov.u32 s28;
	[sflag:s18] =	ssyncset.done $0x0  }
0x63: {  	s24 =	sadd.s32 s23, s16;
	[sflag:s18] =	ssyncadd.s32 $0xFFFFD800  }
0x64: {  	[tilespmem:s4], [sflag:$0x2] =	stream.linear.gather [hbm4b:s24+s4], $0x50, $0x38;
	[tilespmem:$0x16900] =	vst v63  }
0x65: {  	_ =	swait.ge [sflag:s18], $0x50  }
0x66: {  	[sflag:s18] =	ssyncset.done $0x0  }
0x67: {  	s29 =	sadd.s32 s23, s15;
	[sflag:s18] =	ssyncadd.s32 $0xFFFFFFB0  }
0x68: {  	[tilespmem:s19], [sflag:$0x2] =	stream.linear.gather [hbm4b:s29+s4], $0x50, $0x38;
	[tilespmem:$0x16900] =	vst v63  }
0x69: {  	_ =	swait.ge [sflag:s18], $0x50  }
0x6a: {  	[sflag:s18] =	ssyncset.done $0x0  }
0x6b: {  	[sflag:s18] =	ssyncadd.s32 $0xFFFFFFB0  }
0x6c: {  	[tilespmem:s17], [sflag:$0x1] =	stream.indirect.gather [hbm4b:s2+s20], $0x80, s4, s20, $0xb8;
	[tilespmem:$0x16900] =	vst v63  }
0x6d: {  	_ =	swait.ge [sflag:s21], $0x2800  }
0x6e: {  	[sflag:s21] =	ssyncset.done $0x0  }
0x6f: {  	[sflag:s21] =	ssyncadd.s32 $0xFFFFD800  }
0x70: {  	[spmem:s3] =	stream.indirect.scatter.add.f32 [tilespmem:s17], [sflag:$0x2], $0x80, s19, s20, $0xb8;
	[tilespmem:$0x16900] =	vst v63  }
0x71: {  	_ =	swait.ge [sflag:s18], $0x2800  }
0x72: {  	s30 =	sshll.u32 s1, $0x6;
	s22 =	sadd.s32 $0x1, s22;
	[sflag:s18] =	ssyncset.done $0x0  }
0x73: {  	s31 =	sshrl.u32 s5, $0x3;
	p0 =	sne.s32 s22, s13;
	[sflag:s18] =	ssyncadd.s32 $0xFFFFD800  }
.Ltmp2:
0x74: {  	s23 =	sor.u32 $0x1C02, s30;
	[bflag:$0x0] =	sbarrier.arrive $0xFFFF;
	(pc) =	sbr.rel @p0 .LBB2_1-.Ltmp2, $4  }
0x75: {  	[hbm:s14], [sflag:s23] =	dma.local [spmem:s31], $0x2800  }
0x76: {  	_ =	swait.ge [sflag:s18], $0x2800  }
0x77: {  	[sflag:s18] =	ssyncset.done $0x0  }
0x78: {  	[sflag:s18] =	ssyncadd.s32 $0xFFFFD800  }
0x79: {  	_ =	sfence.sel $0x180000  }
0x7a: {  	[bflag:$0x0] =	sbarrier.arrive $0xFFFF  }
0x7b: {  	p0 =	sne.s32 s1, $0x0;
	_ =	strace $0x90000050  }
0x7c: {  	s0 =	sadd.s32 @!p0 $0x100000, s0;
	[bflag:$0x2] =	sbarrier.arrive $0xFFFF  }
0x7d: {  	[sflag:s0] =	ssyncadd.tile.s32 @!p0 $0x1;
	_ =	shalt  }
.Lfunc_end2:
_tile_overlayer_lowered:
.L_overlay_start_2:
0x7e: {  	(tag) =	ssettag $0x2  }
0x7f: {  	s0 =	rddreg [dreg:$0x0];
	s2 =	stileid.u32  }
0x80: {  	s1 =	rddreg [dreg:$0x1];
	p0 =	sne.s32 s2, $0x0  }
0x81: {  	s3 =	rddreg [dreg:$0x2];
	[bflag:$0x3] =	sbarrier.arrive $0xFFFF;
	s2 =	simm.s32 @!p0 $0x1C02  }
0x82: {  	[timem:s3], [sflag:s2] =	dma.local @!p0 [hbm:s0], s1  }
0x83: {  	s0 =	simm.s32 @!p0 $0x2  }
0x84: {  	_ =	swait.ge @!p0 [sflag:s0], s1  }
0x85: {  	s1 =	ssub.s32 @!p0 $0x0, s1;
	[sflag:s0] =	ssyncset.done @!p0 $0x0  }
0x86: {  	[sflag:s0] =	ssyncadd.s32 @!p0 s1  }
0x87: {  	[bflag:$0x3] =	sbarrier.arrive $0xFFFF  }
0x88: {  	_ =	shalt  }

</sc_bundles>
